<compile_context>
chip_gen: v7x
topology: tpu7x:2x2x1
jax: 0.10.2.dev20260603
libtpu: 0.0.44.dev20260713+nightly
codegen_flags: <defaults>
</compile_context>

<pallas_src>
import functools

import jax
import jax.numpy as jnp
from jax import lax
from jax.experimental import pallas as pl
from jax.experimental.pallas import tpu as pltpu
from jax.experimental.pallas import tpu_sc as plsc

_D = 64
_NEG = 5
_K = 1 + _NEG
_B = 16384
_L = 16
_NC = 2
_NS = 16
_NW = _NC * _NS
_BW = _B // _NW
_CHUNK = 128
_NCHUNK = _BW // _CHUNK

_mesh = plsc.VectorSubcoreMesh(
    core_axis_name="c", subcore_axis_name="s",
    num_cores=_NC, num_subcores=_NS)


@functools.partial(
    pl.kernel,
    out_type=jax.ShapeDtypeStruct((_B, _K * _L), jnp.float32),
    mesh=_mesh,
    compiler_params=pltpu.CompilerParams(use_tc_tiling_on_sc=False),
    scratch_types=[
        pltpu.VMEM((_BW,), jnp.int32),
        pltpu.VMEM((_K, _BW), jnp.int32),
        pltpu.VMEM((_CHUNK, _D), jnp.float32),
        pltpu.VMEM((_K, _CHUNK, _D), jnp.float32),
        pltpu.VMEM((_CHUNK, _K * _L), jnp.float32),
        pltpu.SemaphoreType.DMA,
    ],
)
def _sc_partials(idx_w, idx_cn, emb0, emb1, out,
                 idx_w_v, idx_cn_v, w_v, cn_v, t_v, sem):
    wid = lax.axis_index("s") * _NC + lax.axis_index("c")
    base = wid * _BW
    pltpu.sync_copy(idx_w.at[pl.ds(base, _BW)], idx_w_v)
    pltpu.sync_copy(idx_cn.at[:, pl.ds(base, _BW)], idx_cn_v)

    def chunk(ci, carry):
        off = pl.multiple_of(ci * _CHUNK, _CHUNK)
        cps = [pltpu.async_copy(
            emb0.at[idx_w_v.at[pl.ds(off, _CHUNK)]], w_v, sem)]
        for j in range(_K):
            cps.append(pltpu.async_copy(
                emb1.at[idx_cn_v.at[j, pl.ds(off, _CHUNK)]], cn_v.at[j], sem))
        for cp in cps:
            cp.wait()

        def elem(i, c2):
            w0 = w_v[i, pl.ds(0, _L)]
            w1 = w_v[i, pl.ds(_L, _L)]
            w2 = w_v[i, pl.ds(2 * _L, _L)]
            w3 = w_v[i, pl.ds(3 * _L, _L)]
            for j in range(_K):
                t = (w0 * cn_v[j, i, pl.ds(0, _L)]
                     + w1 * cn_v[j, i, pl.ds(_L, _L)]
                     + w2 * cn_v[j, i, pl.ds(2 * _L, _L)]
                     + w3 * cn_v[j, i, pl.ds(3 * _L, _L)])
                t_v[i, pl.ds(j * _L, _L)] = t
            return c2

        lax.fori_loop(0, _CHUNK, elem, 0)
        pltpu.sync_copy(t_v, out.at[pl.ds(base + off, _CHUNK)])
        return carry

    lax.fori_loop(0, _NCHUNK, chunk, 0)


_TC_BLK = 2048
_TC_GRID = _B // _TC_BLK


def _tc_loss(t_ref, mask_ref, pos_ref, neg_ref):
    step = pl.program_id(0)
    x = t_ref[...]
    m = mask_ref[...]
    cols = [jnp.sum(x[:, 0:_L], axis=1, keepdims=True)]
    for j in range(1, _K):
        ip = jnp.sum(x[:, j * _L:(j + 1) * _L], axis=1, keepdims=True)
        cols.append(-ip * m[:, j - 1:j])
    y = jnp.concatenate(cols, axis=1)
    terms = -jax.nn.log_sigmoid(y)
    pos_part = jnp.sum(terms[:, 0:1])
    neg_part = jnp.sum(terms[:, 1:])

    @pl.when(step == 0)
    def _():
        pos_ref[0, 0] = jnp.float32(0.0)
        neg_ref[0, 0] = jnp.float32(0.0)

    pos_ref[0, 0] += pos_part
    neg_ref[0, 0] += neg_part


_tc_call = pl.pallas_call(
    _tc_loss,
    grid=(_TC_GRID,),
    in_specs=[
        pl.BlockSpec((_TC_BLK, _K * _L), lambda i: (i, 0)),
        pl.BlockSpec((_TC_BLK, _NEG), lambda i: (i, 0)),
    ],
    out_specs=(
        pl.BlockSpec((1, 1), lambda i: (0, 0), memory_space=pltpu.SMEM),
        pl.BlockSpec((1, 1), lambda i: (0, 0), memory_space=pltpu.SMEM),
    ),
    out_shape=(jax.ShapeDtypeStruct((1, 1), jnp.float32),
               jax.ShapeDtypeStruct((1, 1), jnp.float32)),
)


def kernel(data, emb0, emb1):
    idx = data[:, 0:1 + _K].astype(jnp.int32)
    idx_w = idx[:, 0]
    idx_cn = idx[:, 1:].T
    mask = data[:, 1 + _K:].astype(jnp.float32)
    t = _sc_partials(idx_w, idx_cn, emb0, emb1)
    pos, neg = _tc_call(t, mask)
    return (pos[0, 0], neg[0, 0])

# --- scband reference (transcript-rebuilt; emitter-appended) ---
"""Pipeline reference for scband-skip-gram-model-31439160606892 (READ-ONLY COPY).

The authoritative reference and input builder live on the scoring server;
editing this copy changes nothing except your own understanding.
"""

import jax, jax.numpy as jnp
import numpy as np

VOCAB = 1000000
EMBED_DIM = 64
NEGATIVE = 5
BATCH = 16384


def setup_inputs(seed: int = 0) -> dict:
    key = jax.random.key(seed)
    k1, k2, k3 = jax.random.split(key, 3)
    data = jax.random.randint(k1, (BATCH, 2 + 2 * NEGATIVE), 0, VOCAB, dtype=jnp.int64) if jax.config.jax_enable_x64 else jax.random.randint(k1, (BATCH, 2 + 2 * NEGATIVE), 0, VOCAB, dtype=jnp.int32)
    # emb0 ~ uniform(-0.5/d, 0.5/d) like torch init; emb1 small random (zero init gives degenerate outputs)
    emb0 = jax.random.uniform(k2, (VOCAB, EMBED_DIM), dtype=jnp.float32, minval=-0.5 / EMBED_DIM, maxval=0.5 / EMBED_DIM)
    emb1 = jax.random.normal(k3, (VOCAB, EMBED_DIM), dtype=jnp.float32) * 0.01
    return {"data": data, "emb0": emb0, "emb1": emb1}


def reference(data, emb0, emb1):
    word_idx = data[:, 0]
    ctx_idx = data[:, 1]
    neg_indices = data[:, 2:2 + NEGATIVE]
    neg_mask = data[:, 2 + NEGATIVE:].astype(jnp.float32)
    w_embs = jnp.take(emb0, word_idx, axis=0)
    c_embs = jnp.take(emb1, ctx_idx, axis=0)
    n_embs = jnp.take(emb1, neg_indices, axis=0)
    pos_ips = jnp.sum(w_embs * c_embs, axis=1)
    neg_ips = jnp.einsum('bkd,bd->bk', n_embs, w_embs)
    neg_ips = neg_ips * neg_mask
    pos_loss = jnp.sum(-jax.nn.log_sigmoid(pos_ips))
    neg_loss = jnp.sum(-jax.nn.log_sigmoid(-neg_ips))
    return (pos_loss, neg_loss)

if __name__ == "__main__":
    import jax
    _d = setup_inputs()
    print(jax.jit(kernel)(*tuple(_d.values())))

</pallas_src>

<mosaic_0001>
#map = affine_map<(d0, d1) -> (0)>
#map1 = affine_map<(d0, d1) -> (0, 0)>
module attributes {stable_mosaic.version = 14 : i64} {
  func.func @_sc_partials(%arg0: i32, %arg1: i32, %arg2: memref<16384xi32, #tpu.memory_space<hbm>>, %arg3: memref<6x16384xi32, #tpu.memory_space<hbm>>, %arg4: memref<1000000x64xf32, #tpu.memory_space<hbm>>, %arg5: memref<1000000x64xf32, #tpu.memory_space<hbm>>, %arg6: memref<16384x96xf32, #tpu.memory_space<hbm>>, %arg7: memref<512xi32, #tpu.memory_space<vmem>>, %arg8: memref<6x512xi32, #tpu.memory_space<vmem>>, %arg9: memref<128x64xf32, #tpu.memory_space<vmem>>, %arg10: memref<6x128x64xf32, #tpu.memory_space<vmem>>, %arg11: memref<128x96xf32, #tpu.memory_space<vmem>>, %arg12: memref<!tpu.dma_semaphore, #tpu.memory_space<semaphore_mem>>) attributes {dimension_semantics = [#tpu.dimension_semantics<core_parallel>, #tpu.dimension_semantics<subcore_parallel>], iteration_bounds = array<i64: 2, 16>, scalar_prefetch = 0 : i64, scratch_operands = 6 : i64, tpu.core_type = #tpu.core_type<sc_vector_subcore>, window_params = [{transform_indices = #map}, {transform_indices = #map1}, {transform_indices = #map1}, {transform_indices = #map1}, {transform_indices = #map1}]} {
    %mul3A = arith.constant 2 : i32
    %mul3A_0 = arith.muli %arg1, %mul3A : i32
    %add3A = arith.addi %mul3A_0, %arg0 : i32
    %mul3A_1 = arith.constant 512 : i32
    %mul3A_2 = arith.muli %add3A, %mul3A_1 : i32
    "tpu.region"() ({
      %run_scoped3A = tpu.sem_alloc : memref<!tpu.dma_semaphore, #tpu.memory_space<semaphore_mem>>
      %dma_start3A = tpu.memref_slice %arg2[%mul3A_2] : memref<16384xi32, #tpu.memory_space<hbm>> -> memref<512xi32, #tpu.memory_space<hbm>>
      %dma_start3A_8 = tpu.memref_slice %arg2[%mul3A_2] : memref<16384xi32, #tpu.memory_space<hbm>> -> memref<512xi32, #tpu.memory_space<hbm>>
      tpu.enqueue_dma source(%dma_start3A_8 : memref<512xi32, #tpu.memory_space<hbm>>) target(%arg7 : memref<512xi32, #tpu.memory_space<vmem>>) target_semaphore(%run_scoped3A : memref<!tpu.dma_semaphore, #tpu.memory_space<semaphore_mem>>)
      %dma_wait3A = tpu.memref_slice %arg2[%mul3A_2] : memref<16384xi32, #tpu.memory_space<hbm>> -> memref<512xi32, #tpu.memory_space<hbm>>
      %dma_wait3A_9 = tpu.memref_slice %arg2[%mul3A_2] : memref<16384xi32, #tpu.memory_space<hbm>> -> memref<512xi32, #tpu.memory_space<hbm>>
      tpu.wait_dma2 semaphore(%run_scoped3A : memref<!tpu.dma_semaphore, #tpu.memory_space<semaphore_mem>>) src(%dma_wait3A_9 : memref<512xi32, #tpu.memory_space<hbm>>) dst(%arg7 : memref<512xi32, #tpu.memory_space<vmem>>)
      tpu.yield
    }) : () -> ()
    "tpu.region"() ({
      %run_scoped3A = tpu.sem_alloc : memref<!tpu.dma_semaphore, #tpu.memory_space<semaphore_mem>>
      %dma_start3A = arith.constant 0 : i32
      %dma_start3A_8 = tpu.memref_slice %arg3[%dma_start3A, %mul3A_2] : memref<6x16384xi32, #tpu.memory_space<hbm>> -> memref<6x512xi32, #tpu.memory_space<hbm>>
      %dma_start3A_9 = arith.constant 0 : i32
      %dma_start3A_10 = tpu.memref_slice %arg3[%dma_start3A_9, %mul3A_2] : memref<6x16384xi32, #tpu.memory_space<hbm>> -> memref<6x512xi32, #tpu.memory_space<hbm>>
      tpu.enqueue_dma source(%dma_start3A_10 : memref<6x512xi32, #tpu.memory_space<hbm>>) target(%arg8 : memref<6x512xi32, #tpu.memory_space<vmem>>) target_semaphore(%run_scoped3A : memref<!tpu.dma_semaphore, #tpu.memory_space<semaphore_mem>>)
      %dma_wait3A = arith.constant 0 : i32
      %dma_wait3A_11 = tpu.memref_slice %arg3[%dma_wait3A, %mul3A_2] : memref<6x16384xi32, #tpu.memory_space<hbm>> -> memref<6x512xi32, #tpu.memory_space<hbm>>
      %dma_wait3A_12 = arith.constant 0 : i32
      %dma_wait3A_13 = tpu.memref_slice %arg3[%dma_wait3A_12, %mul3A_2] : memref<6x16384xi32, #tpu.memory_space<hbm>> -> memref<6x512xi32, #tpu.memory_space<hbm>>
      tpu.wait_dma2 semaphore(%run_scoped3A : memref<!tpu.dma_semaphore, #tpu.memory_space<semaphore_mem>>) src(%dma_wait3A_13 : memref<6x512xi32, #tpu.memory_space<hbm>>) dst(%arg8 : memref<6x512xi32, #tpu.memory_space<vmem>>)
      tpu.yield
    }) : () -> ()
    %scan3A = arith.constant 0 : i32
    %scan3A_3 = arith.constant 0 : i32
    %scan3A_4 = arith.constant 4 : i32
    %scan3A_5 = arith.addi %scan3A_3, %scan3A_4 : i32
    %scan3A_6 = arith.constant 1 : i32
    scf.for %scan3A_8 = %scan3A_3 to %scan3A_5 step %scan3A_6  : i32 {
      %mul3A_9 = arith.constant 128 : i32
      %mul3A_10 = arith.muli %scan3A_8, %mul3A_9 : i32
      %multiple_of3A = tpu.assume_multiple %mul3A_10, 128 : i32
      %dma_start3A = tpu.memref_slice %arg7[%multiple_of3A] : memref<512xi32, #tpu.memory_space<vmem>> -> memref<128xi32, #tpu.memory_space<vmem>>
      %dma_start3A_11 = arith.constant 0 : i32
      %dma_start3A_12 = arith.constant 0 : i32
      %dma_start3A_13 = tpu.memref_slice %arg4[%dma_start3A_11, %dma_start3A_12] : memref<1000000x64xf32, #tpu.memory_space<hbm>> -> memref<1000000x64xf32, #tpu.memory_space<hbm>>
      tpu.enqueue_indirect_dma source(%dma_start3A_13 : memref<1000000x64xf32, #tpu.memory_space<hbm>>) target(%arg9 : memref<128x64xf32, #tpu.memory_space<vmem>>) offsets(%dma_start3A : memref<128xi32, #tpu.memory_space<vmem>>) semaphore(%arg12 : memref<!tpu.dma_semaphore, #tpu.memory_space<semaphore_mem>>)
      %dma_start3A_14 = arith.constant 0 : i32
      %dma_start3A_15 = arith.constant 0 : i32
      %dma_start3A_16 = arith.constant 0 : i32
      %dma_start3A_17 = arith.constant 0 : i32
      %dma_start3A_18 = tpu.memref_slice %arg10[%dma_start3A_15, %dma_start3A_16, %dma_start3A_17] : memref<6x128x64xf32, #tpu.memory_space<vmem>> -> memref<1x128x64xf32, #tpu.memory_space<vmem>>
      %dma_start3A_19 = tpu.memref_squeeze %dma_start3A_18 : memref<1x128x64xf32, #tpu.memory_space<vmem>> -> memref<128x64xf32, #tpu.memory_space<vmem>>
      %dma_start3A_20 = tpu.memref_slice %arg8[%dma_start3A_14, %multiple_of3A] : memref<6x512xi32, #tpu.memory_space<vmem>> -> memref<1x128xi32, #tpu.memory_space<vmem>>
      %dma_start3A_21 = tpu.memref_squeeze %dma_start3A_20 : memref<1x128xi32, #tpu.memory_space<vmem>> -> memref<128xi32, #tpu.memory_space<vmem>>
      %dma_start3A_22 = arith.constant 0 : i32
      %dma_start3A_23 = arith.constant 0 : i32
      %dma_start3A_24 = tpu.memref_slice %arg5[%dma_start3A_22, %dma_start3A_23] : memref<1000000x64xf32, #tpu.memory_space<hbm>> -> memref<1000000x64xf32, #tpu.memory_space<hbm>>
      tpu.enqueue_indirect_dma source(%dma_start3A_24 : memref<1000000x64xf32, #tpu.memory_space<hbm>>) target(%dma_start3A_19 : memref<128x64xf32, #tpu.memory_space<vmem>>) offsets(%dma_start3A_21 : memref<128xi32, #tpu.memory_space<vmem>>) semaphore(%arg12 : memref<!tpu.dma_semaphore, #tpu.memory_space<semaphore_mem>>)
      %dma_start3A_25 = arith.constant 1 : i32
      %dma_start3A_26 = arith.constant 1 : i32
      %dma_start3A_27 = arith.constant 0 : i32
      %dma_start3A_28 = arith.constant 0 : i32
      %dma_start3A_29 = tpu.memref_slice %arg10[%dma_start3A_26, %dma_start3A_27, %dma_start3A_28] : memref<6x128x64xf32, #tpu.memory_space<vmem>> -> memref<1x128x64xf32, #tpu.memory_space<vmem>>
      %dma_start3A_30 = tpu.memref_squeeze %dma_start3A_29 : memref<1x128x64xf32, #tpu.memory_space<vmem>> -> memref<128x64xf32, #tpu.memory_space<vmem>>
      %dma_start3A_31 = tpu.memref_slice %arg8[%dma_start3A_25, %multiple_of3A] : memref<6x512xi32, #tpu.memory_space<vmem>> -> memref<1x128xi32, #tpu.memory_space<vmem>>
      %dma_start3A_32 = tpu.memref_squeeze %dma_start3A_31 : memref<1x128xi32, #tpu.memory_space<vmem>> -> memref<128xi32, #tpu.memory_space<vmem>>
      %dma_start3A_33 = arith.constant 0 : i32
      %dma_start3A_34 = arith.constant 0 : i32
      %dma_start3A_35 = tpu.memref_slice %arg5[%dma_start3A_33, %dma_start3A_34] : memref<1000000x64xf32, #tpu.memory_space<hbm>> -> memref<1000000x64xf32, #tpu.memory_space<hbm>>
      tpu.enqueue_indirect_dma source(%dma_start3A_35 : memref<1000000x64xf32, #tpu.memory_space<hbm>>) target(%dma_start3A_30 : memref<128x64xf32, #tpu.memory_space<vmem>>) offsets(%dma_start3A_32 : memref<128xi32, #tpu.memory_space<vmem>>) semaphore(%arg12 : memref<!tpu.dma_semaphore, #tpu.memory_space<semaphore_mem>>)
      %dma_start3A_36 = arith.constant 2 : i32
      %dma_start3A_37 = arith.constant 2 : i32
      %dma_start3A_38 = arith.constant 0 : i32
      %dma_start3A_39 = arith.constant 0 : i32
      %dma_start3A_40 = tpu.memref_slice %arg10[%dma_start3A_37, %dma_start3A_38, %dma_start3A_39] : memref<6x128x64xf32, #tpu.memory_space<vmem>> -> memref<1x128x64xf32, #tpu.memory_space<vmem>>
      %dma_start3A_41 = tpu.memref_squeeze %dma_start3A_40 : memref<1x128x64xf32, #tpu.memory_space<vmem>> -> memref<128x64xf32, #tpu.memory_space<vmem>>
      %dma_start3A_42 = tpu.memref_slice %arg8[%dma_start3A_36, %multiple_of3A] : memref<6x512xi32, #tpu.memory_space<vmem>> -> memref<1x128xi32, #tpu.memory_space<vmem>>
      %dma_start3A_43 = tpu.memref_squeeze %dma_start3A_42 : memref<1x128xi32, #tpu.memory_space<vmem>> -> memref<128xi32, #tpu.memory_space<vmem>>
      %dma_start3A_44 = arith.constant 0 : i32
      %dma_start3A_45 = arith.constant 0 : i32
      %dma_start3A_46 = tpu.memref_slice %arg5[%dma_start3A_44, %dma_start3A_45] : memref<1000000x64xf32, #tpu.memory_space<hbm>> -> memref<1000000x64xf32, #tpu.memory_space<hbm>>
      tpu.enqueue_indirect_dma source(%dma_start3A_46 : memref<1000000x64xf32, #tpu.memory_space<hbm>>) target(%dma_start3A_41 : memref<128x64xf32, #tpu.memory_space<vmem>>) offsets(%dma_start3A_43 : memref<128xi32, #tpu.memory_space<vmem>>) semaphore(%arg12 : memref<!tpu.dma_semaphore, #tpu.memory_space<semaphore_mem>>)
      %dma_start3A_47 = arith.constant 3 : i32
      %dma_start3A_48 = arith.constant 3 : i32
      %dma_start3A_49 = arith.constant 0 : i32
      %dma_start3A_50 = arith.constant 0 : i32
      %dma_start3A_51 = tpu.memref_slice %arg10[%dma_start3A_48, %dma_start3A_49, %dma_start3A_50] : memref<6x128x64xf32, #tpu.memory_space<vmem>> -> memref<1x128x64xf32, #tpu.memory_space<vmem>>
      %dma_start3A_52 = tpu.memref_squeeze %dma_start3A_51 : memref<1x128x64xf32, #tpu.memory_space<vmem>> -> memref<128x64xf32, #tpu.memory_space<vmem>>
      %dma_start3A_53 = tpu.memref_slice %arg8[%dma_start3A_47, %multiple_of3A] : memref<6x512xi32, #tpu.memory_space<vmem>> -> memref<1x128xi32, #tpu.memory_space<vmem>>
      %dma_start3A_54 = tpu.memref_squeeze %dma_start3A_53 : memref<1x128xi32, #tpu.memory_space<vmem>> -> memref<128xi32, #tpu.memory_space<vmem>>
      %dma_start3A_55 = arith.constant 0 : i32
      %dma_start3A_56 = arith.constant 0 : i32
      %dma_start3A_57 = tpu.memref_slice %arg5[%dma_start3A_55, %dma_start3A_56] : memref<1000000x64xf32, #tpu.memory_space<hbm>> -> memref<1000000x64xf32, #tpu.memory_space<hbm>>
      tpu.enqueue_indirect_dma source(%dma_start3A_57 : memref<1000000x64xf32, #tpu.memory_space<hbm>>) target(%dma_start3A_52 : memref<128x64xf32, #tpu.memory_space<vmem>>) offsets(%dma_start3A_54 : memref<128xi32, #tpu.memory_space<vmem>>) semaphore(%arg12 : memref<!tpu.dma_semaphore, #tpu.memory_space<semaphore_mem>>)
      %dma_start3A_58 = arith.constant 4 : i32
      %dma_start3A_59 = arith.constant 4 : i32
      %dma_start3A_60 = arith.constant 0 : i32
      %dma_start3A_61 = arith.constant 0 : i32
      %dma_start3A_62 = tpu.memref_slice %arg10[%dma_start3A_59, %dma_start3A_60, %dma_start3A_61] : memref<6x128x64xf32, #tpu.memory_space<vmem>> -> memref<1x128x64xf32, #tpu.memory_space<vmem>>
      %dma_start3A_63 = tpu.memref_squeeze %dma_start3A_62 : memref<1x128x64xf32, #tpu.memory_space<vmem>> -> memref<128x64xf32, #tpu.memory_space<vmem>>
      %dma_start3A_64 = tpu.memref_slice %arg8[%dma_start3A_58, %multiple_of3A] : memref<6x512xi32, #tpu.memory_space<vmem>> -> memref<1x128xi32, #tpu.memory_space<vmem>>
      %dma_start3A_65 = tpu.memref_squeeze %dma_start3A_64 : memref<1x128xi32, #tpu.memory_space<vmem>> -> memref<128xi32, #tpu.memory_space<vmem>>
      %dma_start3A_66 = arith.constant 0 : i32
      %dma_start3A_67 = arith.constant 0 : i32
      %dma_start3A_68 = tpu.memref_slice %arg5[%dma_start3A_66, %dma_start3A_67] : memref<1000000x64xf32, #tpu.memory_space<hbm>> -> memref<1000000x64xf32, #tpu.memory_space<hbm>>
      tpu.enqueue_indirect_dma source(%dma_start3A_68 : memref<1000000x64xf32, #tpu.memory_space<hbm>>) target(%dma_start3A_63 : memref<128x64xf32, #tpu.memory_space<vmem>>) offsets(%dma_start3A_65 : memref<128xi32, #tpu.memory_space<vmem>>) semaphore(%arg12 : memref<!tpu.dma_semaphore, #tpu.memory_space<semaphore_mem>>)
      %dma_start3A_69 = arith.constant 5 : i32
      %dma_start3A_70 = arith.constant 5 : i32
      %dma_start3A_71 = arith.constant 0 : i32
      %dma_start3A_72 = arith.constant 0 : i32
      %dma_start3A_73 = tpu.memref_slice %arg10[%dma_start3A_70, %dma_start3A_71, %dma_start3A_72] : memref<6x128x64xf32, #tpu.memory_space<vmem>> -> memref<1x128x64xf32, #tpu.memory_space<vmem>>
      %dma_start3A_74 = tpu.memref_squeeze %dma_start3A_73 : memref<1x128x64xf32, #tpu.memory_space<vmem>> -> memref<128x64xf32, #tpu.memory_space<vmem>>
      %dma_start3A_75 = tpu.memref_slice %arg8[%dma_start3A_69, %multiple_of3A] : memref<6x512xi32, #tpu.memory_space<vmem>> -> memref<1x128xi32, #tpu.memory_space<vmem>>
      %dma_start3A_76 = tpu.memref_squeeze %dma_start3A_75 : memref<1x128xi32, #tpu.memory_space<vmem>> -> memref<128xi32, #tpu.memory_space<vmem>>
      %dma_start3A_77 = arith.constant 0 : i32
      %dma_start3A_78 = arith.constant 0 : i32
      %dma_start3A_79 = tpu.memref_slice %arg5[%dma_start3A_77, %dma_start3A_78] : memref<1000000x64xf32, #tpu.memory_space<hbm>> -> memref<1000000x64xf32, #tpu.memory_space<hbm>>
      tpu.enqueue_indirect_dma source(%dma_start3A_79 : memref<1000000x64xf32, #tpu.memory_space<hbm>>) target(%dma_start3A_74 : memref<128x64xf32, #tpu.memory_space<vmem>>) offsets(%dma_start3A_76 : memref<128xi32, #tpu.memory_space<vmem>>) semaphore(%arg12 : memref<!tpu.dma_semaphore, #tpu.memory_space<semaphore_mem>>)
      %dma_wait3A = tpu.memref_slice %arg7[%multiple_of3A] : memref<512xi32, #tpu.memory_space<vmem>> -> memref<128xi32, #tpu.memory_space<vmem>>
      %dma_wait3A_80 = arith.constant 0 : i32
      %dma_wait3A_81 = arith.constant 0 : i32
      %dma_wait3A_82 = tpu.memref_slice %arg4[%dma_wait3A_80, %dma_wait3A_81] : memref<1000000x64xf32, #tpu.memory_space<hbm>> -> memref<1000000x64xf32, #tpu.memory_space<hbm>>
      tpu.wait_indirect_dma semaphore(%arg12 : memref<!tpu.dma_semaphore, #tpu.memory_space<semaphore_mem>>) src(%dma_wait3A_82 : memref<1000000x64xf32, #tpu.memory_space<hbm>>) dst(%arg9 : memref<128x64xf32, #tpu.memory_space<vmem>>)
      %dma_wait3A_83 = arith.constant 0 : i32
      %dma_wait3A_84 = arith.constant 0 : i32
      %dma_wait3A_85 = arith.constant 0 : i32
      %dma_wait3A_86 = arith.constant 0 : i32
      %dma_wait3A_87 = tpu.memref_slice %arg10[%dma_wait3A_84, %dma_wait3A_85, %dma_wait3A_86] : memref<6x128x64xf32, #tpu.memory_space<vmem>> -> memref<1x128x64xf32, #tpu.memory_space<vmem>>
      %dma_wait3A_88 = tpu.memref_squeeze %dma_wait3A_87 : memref<1x128x64xf32, #tpu.memory_space<vmem>> -> memref<128x64xf32, #tpu.memory_space<vmem>>
      %dma_wait3A_89 = tpu.memref_slice %arg8[%dma_wait3A_83, %multiple_of3A] : memref<6x512xi32, #tpu.memory_space<vmem>> -> memref<1x128xi32, #tpu.memory_space<vmem>>
      %dma_wait3A_90 = tpu.memref_squeeze %dma_wait3A_89 : memref<1x128xi32, #tpu.memory_space<vmem>> -> memref<128xi32, #tpu.memory_space<vmem>>
      %dma_wait3A_91 = arith.constant 0 : i32
      %dma_wait3A_92 = arith.constant 0 : i32
      %dma_wait3A_93 = tpu.memref_slice %arg5[%dma_wait3A_91, %dma_wait3A_92] : memref<1000000x64xf32, #tpu.memory_space<hbm>> -> memref<1000000x64xf32, #tpu.memory_space<hbm>>
      tpu.wait_indirect_dma semaphore(%arg12 : memref<!tpu.dma_semaphore, #tpu.memory_space<semaphore_mem>>) src(%dma_wait3A_93 : memref<1000000x64xf32, #tpu.memory_space<hbm>>) dst(%dma_wait3A_88 : memref<128x64xf32, #tpu.memory_space<vmem>>)
      %dma_wait3A_94 = arith.constant 1 : i32
      %dma_wait3A_95 = arith.constant 1 : i32
      %dma_wait3A_96 = arith.constant 0 : i32
      %dma_wait3A_97 = arith.constant 0 : i32
      %dma_wait3A_98 = tpu.memref_slice %arg10[%dma_wait3A_95, %dma_wait3A_96, %dma_wait3A_97] : memref<6x128x64xf32, #tpu.memory_space<vmem>> -> memref<1x128x64xf32, #tpu.memory_space<vmem>>
      %dma_wait3A_99 = tpu.memref_squeeze %dma_wait3A_98 : memref<1x128x64xf32, #tpu.memory_space<vmem>> -> memref<128x64xf32, #tpu.memory_space<vmem>>
      %dma_wait3A_100 = tpu.memref_slice %arg8[%dma_wait3A_94, %multiple_of3A] : memref<6x512xi32, #tpu.memory_space<vmem>> -> memref<1x128xi32, #tpu.memory_space<vmem>>
      %dma_wait3A_101 = tpu.memref_squeeze %dma_wait3A_100 : memref<1x128xi32, #tpu.memory_space<vmem>> -> memref<128xi32, #tpu.memory_space<vmem>>
      %dma_wait3A_102 = arith.constant 0 : i32
      %dma_wait3A_103 = arith.constant 0 : i32
      %dma_wait3A_104 = tpu.memref_slice %arg5[%dma_wait3A_102, %dma_wait3A_103] : memref<1000000x64xf32, #tpu.memory_space<hbm>> -> memref<1000000x64xf32, #tpu.memory_space<hbm>>
      tpu.wait_indirect_dma semaphore(%arg12 : memref<!tpu.dma_semaphore, #tpu.memory_space<semaphore_mem>>) src(%dma_wait3A_104 : memref<1000000x64xf32, #tpu.memory_space<hbm>>) dst(%dma_wait3A_99 : memref<128x64xf32, #tpu.memory_space<vmem>>)
      %dma_wait3A_105 = arith.constant 2 : i32
      %dma_wait3A_106 = arith.constant 2 : i32
      %dma_wait3A_107 = arith.constant 0 : i32
      %dma_wait3A_108 = arith.constant 0 : i32
      %dma_wait3A_109 = tpu.memref_slice %arg10[%dma_wait3A_106, %dma_wait3A_107, %dma_wait3A_108] : memref<6x128x64xf32, #tpu.memory_space<vmem>> -> memref<1x128x64xf32, #tpu.memory_space<vmem>>
      %dma_wait3A_110 = tpu.memref_squeeze %dma_wait3A_109 : memref<1x128x64xf32, #tpu.memory_space<vmem>> -> memref<128x64xf32, #tpu.memory_space<vmem>>
      %dma_wait3A_111 = tpu.memref_slice %arg8[%dma_wait3A_105, %multiple_of3A] : memref<6x512xi32, #tpu.memory_space<vmem>> -> memref<1x128xi32, #tpu.memory_space<vmem>>
      %dma_wait3A_112 = tpu.memref_squeeze %dma_wait3A_111 : memref<1x128xi32, #tpu.memory_space<vmem>> -> memref<128xi32, #tpu.memory_space<vmem>>
      %dma_wait3A_113 = arith.constant 0 : i32
      %dma_wait3A_114 = arith.constant 0 : i32
      %dma_wait3A_115 = tpu.memref_slice %arg5[%dma_wait3A_113, %dma_wait3A_114] : memref<1000000x64xf32, #tpu.memory_space<hbm>> -> memref<1000000x64xf32, #tpu.memory_space<hbm>>
      tpu.wait_indirect_dma semaphore(%arg12 : memref<!tpu.dma_semaphore, #tpu.memory_space<semaphore_mem>>) src(%dma_wait3A_115 : memref<1000000x64xf32, #tpu.memory_space<hbm>>) dst(%dma_wait3A_110 : memref<128x64xf32, #tpu.memory_space<vmem>>)
      %dma_wait3A_116 = arith.constant 3 : i32
      %dma_wait3A_117 = arith.constant 3 : i32
      %dma_wait3A_118 = arith.constant 0 : i32
      %dma_wait3A_119 = arith.constant 0 : i32
      %dma_wait3A_120 = tpu.memref_slice %arg10[%dma_wait3A_117, %dma_wait3A_118, %dma_wait3A_119] : memref<6x128x64xf32, #tpu.memory_space<vmem>> -> memref<1x128x64xf32, #tpu.memory_space<vmem>>
      %dma_wait3A_121 = tpu.memref_squeeze %dma_wait3A_120 : memref<1x128x64xf32, #tpu.memory_space<vmem>> -> memref<128x64xf32, #tpu.memory_space<vmem>>
      %dma_wait3A_122 = tpu.memref_slice %arg8[%dma_wait3A_116, %multiple_of3A] : memref<6x512xi32, #tpu.memory_space<vmem>> -> memref<1x128xi32, #tpu.memory_space<vmem>>
      %dma_wait3A_123 = tpu.memref_squeeze %dma_wait3A_122 : memref<1x128xi32, #tpu.memory_space<vmem>> -> memref<128xi32, #tpu.memory_space<vmem>>
      %dma_wait3A_124 = arith.constant 0 : i32
      %dma_wait3A_125 = arith.constant 0 : i32
      %dma_wait3A_126 = tpu.memref_slice %arg5[%dma_wait3A_124, %dma_wait3A_125] : memref<1000000x64xf32, #tpu.memory_space<hbm>> -> memref<1000000x64xf32, #tpu.memory_space<hbm>>
      tpu.wait_indirect_dma semaphore(%arg12 : memref<!tpu.dma_semaphore, #tpu.memory_space<semaphore_mem>>) src(%dma_wait3A_126 : memref<1000000x64xf32, #tpu.memory_space<hbm>>) dst(%dma_wait3A_121 : memref<128x64xf32, #tpu.memory_space<vmem>>)
      %dma_wait3A_127 = arith.constant 4 : i32
      %dma_wait3A_128 = arith.constant 4 : i32
      %dma_wait3A_129 = arith.constant 0 : i32
      %dma_wait3A_130 = arith.constant 0 : i32
      %dma_wait3A_131 = tpu.memref_slice %arg10[%dma_wait3A_128, %dma_wait3A_129, %dma_wait3A_130] : memref<6x128x64xf32, #tpu.memory_space<vmem>> -> memref<1x128x64xf32, #tpu.memory_space<vmem>>
      %dma_wait3A_132 = tpu.memref_squeeze %dma_wait3A_131 : memref<1x128x64xf32, #tpu.memory_space<vmem>> -> memref<128x64xf32, #tpu.memory_space<vmem>>
      %dma_wait3A_133 = tpu.memref_slice %arg8[%dma_wait3A_127, %multiple_of3A] : memref<6x512xi32, #tpu.memory_space<vmem>> -> memref<1x128xi32, #tpu.memory_space<vmem>>
      %dma_wait3A_134 = tpu.memref_squeeze %dma_wait3A_133 : memref<1x128xi32, #tpu.memory_space<vmem>> -> memref<128xi32, #tpu.memory_space<vmem>>
      %dma_wait3A_135 = arith.constant 0 : i32
      %dma_wait3A_136 = arith.constant 0 : i32
      %dma_wait3A_137 = tpu.memref_slice %arg5[%dma_wait3A_135, %dma_wait3A_136] : memref<1000000x64xf32, #tpu.memory_space<hbm>> -> memref<1000000x64xf32, #tpu.memory_space<hbm>>
      tpu.wait_indirect_dma semaphore(%arg12 : memref<!tpu.dma_semaphore, #tpu.memory_space<semaphore_mem>>) src(%dma_wait3A_137 : memref<1000000x64xf32, #tpu.memory_space<hbm>>) dst(%dma_wait3A_132 : memref<128x64xf32, #tpu.memory_space<vmem>>)
      %dma_wait3A_138 = arith.constant 5 : i32
      %dma_wait3A_139 = arith.constant 5 : i32
      %dma_wait3A_140 = arith.constant 0 : i32
      %dma_wait3A_141 = arith.constant 0 : i32
      %dma_wait3A_142 = tpu.memref_slice %arg10[%dma_wait3A_139, %dma_wait3A_140, %dma_wait3A_141] : memref<6x128x64xf32, #tpu.memory_space<vmem>> -> memref<1x128x64xf32, #tpu.memory_space<vmem>>
      %dma_wait3A_143 = tpu.memref_squeeze %dma_wait3A_142 : memref<1x128x64xf32, #tpu.memory_space<vmem>> -> memref<128x64xf32, #tpu.memory_space<vmem>>
      %dma_wait3A_144 = tpu.memref_slice %arg8[%dma_wait3A_138, %multiple_of3A] : memref<6x512xi32, #tpu.memory_space<vmem>> -> memref<1x128xi32, #tpu.memory_space<vmem>>
      %dma_wait3A_145 = tpu.memref_squeeze %dma_wait3A_144 : memref<1x128xi32, #tpu.memory_space<vmem>> -> memref<128xi32, #tpu.memory_space<vmem>>
      %dma_wait3A_146 = arith.constant 0 : i32
      %dma_wait3A_147 = arith.constant 0 : i32
      %dma_wait3A_148 = tpu.memref_slice %arg5[%dma_wait3A_146, %dma_wait3A_147] : memref<1000000x64xf32, #tpu.memory_space<hbm>> -> memref<1000000x64xf32, #tpu.memory_space<hbm>>
      tpu.wait_indirect_dma semaphore(%arg12 : memref<!tpu.dma_semaphore, #tpu.memory_space<semaphore_mem>>) src(%dma_wait3A_148 : memref<1000000x64xf32, #tpu.memory_space<hbm>>) dst(%dma_wait3A_143 : memref<128x64xf32, #tpu.memory_space<vmem>>)
      %scan3A_149 = arith.constant 0 : i32
      %scan3A_150 = arith.constant 0 : i32
      %scan3A_151 = arith.constant 128 : i32
      %scan3A_152 = arith.addi %scan3A_150, %scan3A_151 : i32
      %scan3A_153 = arith.constant 1 : i32
      scf.for %scan3A_156 = %scan3A_150 to %scan3A_152 step %scan3A_153  : i32 {
        %get3A = arith.index_cast %scan3A_156 : i32 to index
        %get3A_157 = arith.constant 0 : index
        %get3A_158 = tpu.vector_load %arg9[%get3A, %get3A_157] {strides = array<i32>} : memref<128x64xf32, #tpu.memory_space<vmem>>, vector<1x16xf32>,
        %get3A_159 = vector.shape_cast %get3A_158 : vector<1x16xf32> to vector<16xf32>
        %get3A_160 = arith.index_cast %scan3A_156 : i32 to index
        %get3A_161 = arith.constant 16 : index
        %get3A_162 = tpu.vector_load %arg9[%get3A_160, %get3A_161] {strides = array<i32>} : memref<128x64xf32, #tpu.memory_space<vmem>>, vector<1x16xf32>,
        %get3A_163 = vector.shape_cast %get3A_162 : vector<1x16xf32> to vector<16xf32>
        %get3A_164 = arith.index_cast %scan3A_156 : i32 to index
        %get3A_165 = arith.constant 32 : index
        %get3A_166 = tpu.vector_load %arg9[%get3A_164, %get3A_165] {strides = array<i32>} : memref<128x64xf32, #tpu.memory_space<vmem>>, vector<1x16xf32>,
        %get3A_167 = vector.shape_cast %get3A_166 : vector<1x16xf32> to vector<16xf32>
        %get3A_168 = arith.index_cast %scan3A_156 : i32 to index
        %get3A_169 = arith.constant 48 : index
        %get3A_170 = tpu.vector_load %arg9[%get3A_168, %get3A_169] {strides = array<i32>} : memref<128x64xf32, #tpu.memory_space<vmem>>, vector<1x16xf32>,
        %get3A_171 = vector.shape_cast %get3A_170 : vector<1x16xf32> to vector<16xf32>
        %get3A_172 = arith.constant 0 : i32
        %get3A_173 = arith.index_cast %get3A_172 : i32 to index
        %get3A_174 = arith.index_cast %scan3A_156 : i32 to index
        %get3A_175 = arith.constant 0 : index
        %get3A_176 = tpu.vector_load %arg10[%get3A_173, %get3A_174, %get3A_175] {strides = array<i32>} : memref<6x128x64xf32, #tpu.memory_space<vmem>>, vector<1x1x16xf32>,
        %get3A_177 = vector.shape_cast %get3A_176 : vector<1x1x16xf32> to vector<16xf32>
        %mul3A_178 = arith.mulf %get3A_159, %get3A_177 : vector<16xf32>
        %get3A_179 = arith.constant 0 : i32
        %get3A_180 = arith.index_cast %get3A_179 : i32 to index
        %get3A_181 = arith.index_cast %scan3A_156 : i32 to index
        %get3A_182 = arith.constant 16 : index
        %get3A_183 = tpu.vector_load %arg10[%get3A_180, %get3A_181, %get3A_182] {strides = array<i32>} : memref<6x128x64xf32, #tpu.memory_space<vmem>>, vector<1x1x16xf32>,
        %get3A_184 = vector.shape_cast %get3A_183 : vector<1x1x16xf32> to vector<16xf32>
        %mul3A_185 = arith.mulf %get3A_163, %get3A_184 : vector<16xf32>
        %add3A_186 = arith.addf %mul3A_178, %mul3A_185 : vector<16xf32>
        %get3A_187 = arith.constant 0 : i32
        %get3A_188 = arith.index_cast %get3A_187 : i32 to index
        %get3A_189 = arith.index_cast %scan3A_156 : i32 to index
        %get3A_190 = arith.constant 32 : index
        %get3A_191 = tpu.vector_load %arg10[%get3A_188, %get3A_189, %get3A_190] {strides = array<i32>} : memref<6x128x64xf32, #tpu.memory_space<vmem>>, vector<1x1x16xf32>,
        %get3A_192 = vector.shape_cast %get3A_191 : vector<1x1x16xf32> to vector<16xf32>
        %mul3A_193 = arith.mulf %get3A_167, %get3A_192 : vector<16xf32>
        %add3A_194 = arith.addf %add3A_186, %mul3A_193 : vector<16xf32>
        %get3A_195 = arith.constant 0 : i32
        %get3A_196 = arith.index_cast %get3A_195 : i32 to index
        %get3A_197 = arith.index_cast %scan3A_156 : i32 to index
        %get3A_198 = arith.constant 48 : index
        %get3A_199 = tpu.vector_load %arg10[%get3A_196, %get3A_197, %get3A_198] {strides = array<i32>} : memref<6x128x64xf32, #tpu.memory_space<vmem>>, vector<1x1x16xf32>,
        %get3A_200 = vector.shape_cast %get3A_199 : vector<1x1x16xf32> to vector<16xf32>
        %mul3A_201 = arith.mulf %get3A_171, %get3A_200 : vector<16xf32>
        %add3A_202 = arith.addf %add3A_194, %mul3A_201 : vector<16xf32>
        %swap3A = arith.index_cast %scan3A_156 : i32 to index
        %swap3A_203 = arith.constant 0 : index
        %swap3A_204 = tpu.vector_load %arg11[%swap3A, %swap3A_203] {strides = array<i32>} : memref<128x96xf32, #tpu.memory_space<vmem>>, vector<1x16xf32>,
        %swap3A_205 = vector.shape_cast %swap3A_204 : vector<1x16xf32> to vector<16xf32>
        %swap3A_206 = vector.shape_cast %add3A_202 : vector<16xf32> to vector<1x16xf32>
        tpu.vector_store %arg11[%swap3A, %swap3A_203], %swap3A_206 {strides = array<i32>} : memref<128x96xf32, #tpu.memory_space<vmem>>, vector<1x16xf32>,
        %get3A_207 = arith.constant 1 : i32
        %get3A_208 = arith.index_cast %get3A_207 : i32 to index
        %get3A_209 = arith.index_cast %scan3A_156 : i32 to index
        %get3A_210 = arith.constant 0 : index
        %get3A_211 = tpu.vector_load %arg10[%get3A_208, %get3A_209, %get3A_210] {strides = array<i32>} : memref<6x128x64xf32, #tpu.memory_space<vmem>>, vector<1x1x16xf32>,
        %get3A_212 = vector.shape_cast %get3A_211 : vector<1x1x16xf32> to vector<16xf32>
        %mul3A_213 = arith.mulf %get3A_159, %get3A_212 : vector<16xf32>
        %get3A_214 = arith.constant 1 : i32
        %get3A_215 = arith.index_cast %get3A_214 : i32 to index
        %get3A_216 = arith.index_cast %scan3A_156 : i32 to index
        %get3A_217 = arith.constant 16 : index
        %get3A_218 = tpu.vector_load %arg10[%get3A_215, %get3A_216, %get3A_217] {strides = array<i32>} : memref<6x128x64xf32, #tpu.memory_space<vmem>>, vector<1x1x16xf32>,
        %get3A_219 = vector.shape_cast %get3A_218 : vector<1x1x16xf32> to vector<16xf32>
        %mul3A_220 = arith.mulf %get3A_163, %get3A_219 : vector<16xf32>
        %add3A_221 = arith.addf %mul3A_213, %mul3A_220 : vector<16xf32>
        %get3A_222 = arith.constant 1 : i32
        %get3A_223 = arith.index_cast %get3A_222 : i32 to index
        %get3A_224 = arith.index_cast %scan3A_156 : i32 to index
        %get3A_225 = arith.constant 32 : index
        %get3A_226 = tpu.vector_load %arg10[%get3A_223, %get3A_224, %get3A_225] {strides = array<i32>} : memref<6x128x64xf32, #tpu.memory_space<vmem>>, vector<1x1x16xf32>,
        %get3A_227 = vector.shape_cast %get3A_226 : vector<1x1x16xf32> to vector<16xf32>
        %mul3A_228 = arith.mulf %get3A_167, %get3A_227 : vector<16xf32>
        %add3A_229 = arith.addf %add3A_221, %mul3A_228 : vector<16xf32>
        %get3A_230 = arith.constant 1 : i32
        %get3A_231 = arith.index_cast %get3A_230 : i32 to index
        %get3A_232 = arith.index_cast %scan3A_156 : i32 to index
        %get3A_233 = arith.constant 48 : index
        %get3A_234 = tpu.vector_load %arg10[%get3A_231, %get3A_232, %get3A_233] {strides = array<i32>} : memref<6x128x64xf32, #tpu.memory_space<vmem>>, vector<1x1x16xf32>,
        %get3A_235 = vector.shape_cast %get3A_234 : vector<1x1x16xf32> to vector<16xf32>
        %mul3A_236 = arith.mulf %get3A_171, %get3A_235 : vector<16xf32>
        %add3A_237 = arith.addf %add3A_229, %mul3A_236 : vector<16xf32>
        %swap3A_238 = arith.index_cast %scan3A_156 : i32 to index
        %swap3A_239 = arith.constant 16 : index
        %swap3A_240 = tpu.vector_load %arg11[%swap3A_238, %swap3A_239] {strides = array<i32>} : memref<128x96xf32, #tpu.memory_space<vmem>>, vector<1x16xf32>,
        %swap3A_241 = vector.shape_cast %swap3A_240 : vector<1x16xf32> to vector<16xf32>
        %swap3A_242 = vector.shape_cast %add3A_237 : vector<16xf32> to vector<1x16xf32>
        tpu.vector_store %arg11[%swap3A_238, %swap3A_239], %swap3A_242 {strides = array<i32>} : memref<128x96xf32, #tpu.memory_space<vmem>>, vector<1x16xf32>,
        %get3A_243 = arith.constant 2 : i32
        %get3A_244 = arith.index_cast %get3A_243 : i32 to index
        %get3A_245 = arith.index_cast %scan3A_156 : i32 to index
        %get3A_246 = arith.constant 0 : index
        %get3A_247 = tpu.vector_load %arg10[%get3A_244, %get3A_245, %get3A_246] {strides = array<i32>} : memref<6x128x64xf32, #tpu.memory_space<vmem>>, vector<1x1x16xf32>,
        %get3A_248 = vector.shape_cast %get3A_247 : vector<1x1x16xf32> to vector<16xf32>
        %mul3A_249 = arith.mulf %get3A_159, %get3A_248 : vector<16xf32>
        %get3A_250 = arith.constant 2 : i32
        %get3A_251 = arith.index_cast %get3A_250 : i32 to index
        %get3A_252 = arith.index_cast %scan3A_156 : i32 to index
        %get3A_253 = arith.constant 16 : index
        %get3A_254 = tpu.vector_load %arg10[%get3A_251, %get3A_252, %get3A_253] {strides = array<i32>} : memref<6x128x64xf32, #tpu.memory_space<vmem>>, vector<1x1x16xf32>,
        %get3A_255 = vector.shape_cast %get3A_254 : vector<1x1x16xf32> to vector<16xf32>
        %mul3A_256 = arith.mulf %get3A_163, %get3A_255 : vector<16xf32>
        %add3A_257 = arith.addf %mul3A_249, %mul3A_256 : vector<16xf32>
        %get3A_258 = arith.constant 2 : i32
        %get3A_259 = arith.index_cast %get3A_258 : i32 to index
        %get3A_260 = arith.index_cast %scan3A_156 : i32 to index
        %get3A_261 = arith.constant 32 : index
        %get3A_262 = tpu.vector_load %arg10[%get3A_259, %get3A_260, %get3A_261] {strides = array<i32>} : memref<6x128x64xf32, #tpu.memory_space<vmem>>, vector<1x1x16xf32>,
        %get3A_263 = vector.shape_cast %get3A_262 : vector<1x1x16xf32> to vector<16xf32>
        %mul3A_264 = arith.mulf %get3A_167, %get3A_263 : vector<16xf32>
        %add3A_265 = arith.addf %add3A_257, %mul3A_264 : vector<16xf32>
        %get3A_266 = arith.constant 2 : i32
        %get3A_267 = arith.index_cast %get3A_266 : i32 to index
        %get3A_268 = arith.index_cast %scan3A_156 : i32 to index
        %get3A_269 = arith.constant 48 : index
        %get3A_270 = tpu.vector_load %arg10[%get3A_267, %get3A_268, %get3A_269] {strides = array<i32>} : memref<6x128x64xf32, #tpu.memory_space<vmem>>, vector<1x1x16xf32>,
        %get3A_271 = vector.shape_cast %get3A_270 : vector<1x1x16xf32> to vector<16xf32>
        %mul3A_272 = arith.mulf %get3A_171, %get3A_271 : vector<16xf32>
        %add3A_273 = arith.addf %add3A_265, %mul3A_272 : vector<16xf32>
        %swap3A_274 = arith.index_cast %scan3A_156 : i32 to index
        %swap3A_275 = arith.constant 32 : index
        %swap3A_276 = tpu.vector_load %arg11[%swap3A_274, %swap3A_275] {strides = array<i32>} : memref<128x96xf32, #tpu.memory_space<vmem>>, vector<1x16xf32>,
        %swap3A_277 = vector.shape_cast %swap3A_276 : vector<1x16xf32> to vector<16xf32>
        %swap3A_278 = vector.shape_cast %add3A_273 : vector<16xf32> to vector<1x16xf32>
        tpu.vector_store %arg11[%swap3A_274, %swap3A_275], %swap3A_278 {strides = array<i32>} : memref<128x96xf32, #tpu.memory_space<vmem>>, vector<1x16xf32>,
        %get3A_279 = arith.constant 3 : i32
        %get3A_280 = arith.index_cast %get3A_279 : i32 to index
        %get3A_281 = arith.index_cast %scan3A_156 : i32 to index
        %get3A_282 = arith.constant 0 : index
        %get3A_283 = tpu.vector_load %arg10[%get3A_280, %get3A_281, %get3A_282] {strides = array<i32>} : memref<6x128x64xf32, #tpu.memory_space<vmem>>, vector<1x1x16xf32>,
        %get3A_284 = vector.shape_cast %get3A_283 : vector<1x1x16xf32> to vector<16xf32>
        %mul3A_285 = arith.mulf %get3A_159, %get3A_284 : vector<16xf32>
        %get3A_286 = arith.constant 3 : i32
        %get3A_287 = arith.index_cast %get3A_286 : i32 to index
        %get3A_288 = arith.index_cast %scan3A_156 : i32 to index
        %get3A_289 = arith.constant 16 : index
        %get3A_290 = tpu.vector_load %arg10[%get3A_287, %get3A_288, %get3A_289] {strides = array<i32>} : memref<6x128x64xf32, #tpu.memory_space<vmem>>, vector<1x1x16xf32>,
        %get3A_291 = vector.shape_cast %get3A_290 : vector<1x1x16xf32> to vector<16xf32>
        %mul3A_292 = arith.mulf %get3A_163, %get3A_291 : vector<16xf32>
        %add3A_293 = arith.addf %mul3A_285, %mul3A_292 : vector<16xf32>
        %get3A_294 = arith.constant 3 : i32
        %get3A_295 = arith.index_cast %get3A_294 : i32 to index
        %get3A_296 = arith.index_cast %scan3A_156 : i32 to index
        %get3A_297 = arith.constant 32 : index
        %get3A_298 = tpu.vector_load %arg10[%get3A_295, %get3A_296, %get3A_297] {strides = array<i32>} : memref<6x128x64xf32, #tpu.memory_space<vmem>>, vector<1x1x16xf32>,
        %get3A_299 = vector.shape_cast %get3A_298 : vector<1x1x16xf32> to vector<16xf32>
        %mul3A_300 = arith.mulf %get3A_167, %get3A_299 : vector<16xf32>
        %add3A_301 = arith.addf %add3A_293, %mul3A_300 : vector<16xf32>
        %get3A_302 = arith.constant 3 : i32
        %get3A_303 = arith.index_cast %get3A_302 : i32 to index
        %get3A_304 = arith.index_cast %scan3A_156 : i32 to index
        %get3A_305 = arith.constant 48 : index
        %get3A_306 = tpu.vector_load %arg10[%get3A_303, %get3A_304, %get3A_305] {strides = array<i32>} : memref<6x128x64xf32, #tpu.memory_space<vmem>>, vector<1x1x16xf32>,
        %get3A_307 = vector.shape_cast %get3A_306 : vector<1x1x16xf32> to vector<16xf32>
        %mul3A_308 = arith.mulf %get3A_171, %get3A_307 : vector<16xf32>
        %add3A_309 = arith.addf %add3A_301, %mul3A_308 : vector<16xf32>
        %swap3A_310 = arith.index_cast %scan3A_156 : i32 to index
        %swap3A_311 = arith.constant 48 : index
        %swap3A_312 = tpu.vector_load %arg11[%swap3A_310, %swap3A_311] {strides = array<i32>} : memref<128x96xf32, #tpu.memory_space<vmem>>, vector<1x16xf32>,
        %swap3A_313 = vector.shape_cast %swap3A_312 : vector<1x16xf32> to vector<16xf32>
        %swap3A_314 = vector.shape_cast %add3A_309 : vector<16xf32> to vector<1x16xf32>
        tpu.vector_store %arg11[%swap3A_310, %swap3A_311], %swap3A_314 {strides = array<i32>} : memref<128x96xf32, #tpu.memory_space<vmem>>, vector<1x16xf32>,
        %get3A_315 = arith.constant 4 : i32
        %get3A_316 = arith.index_cast %get3A_315 : i32 to index
        %get3A_317 = arith.index_cast %scan3A_156 : i32 to index
        %get3A_318 = arith.constant 0 : index
        %get3A_319 = tpu.vector_load %arg10[%get3A_316, %get3A_317, %get3A_318] {strides = array<i32>} : memref<6x128x64xf32, #tpu.memory_space<vmem>>, vector<1x1x16xf32>,
        %get3A_320 = vector.shape_cast %get3A_319 : vector<1x1x16xf32> to vector<16xf32>
        %mul3A_321 = arith.mulf %get3A_159, %get3A_320 : vector<16xf32>
        %get3A_322 = arith.constant 4 : i32
        %get3A_323 = arith.index_cast %get3A_322 : i32 to index
        %get3A_324 = arith.index_cast %scan3A_156 : i32 to index
        %get3A_325 = arith.constant 16 : index
        %get3A_326 = tpu.vector_load %arg10[%get3A_323, %get3A_324, %get3A_325] {strides = array<i32>} : memref<6x128x64xf32, #tpu.memory_space<vmem>>, vector<1x1x16xf32>,
        %get3A_327 = vector.shape_cast %get3A_326 : vector<1x1x16xf32> to vector<16xf32>
        %mul3A_328 = arith.mulf %get3A_163, %get3A_327 : vector<16xf32>
        %add3A_329 = arith.addf %mul3A_321, %mul3A_328 : vector<16xf32>
        %get3A_330 = arith.constant 4 : i32
        %get3A_331 = arith.index_cast %get3A_330 : i32 to index
        %get3A_332 = arith.index_cast %scan3A_156 : i32 to index
        %get3A_333 = arith.constant 32 : index
        %get3A_334 = tpu.vector_load %arg10[%get3A_331, %get3A_332, %get3A_333] {strides = array<i32>} : memref<6x128x64xf32, #tpu.memory_space<vmem>>, vector<1x1x16xf32>,
        %get3A_335 = vector.shape_cast %get3A_334 : vector<1x1x16xf32> to vector<16xf32>
        %mul3A_336 = arith.mulf %get3A_167, %get3A_335 : vector<16xf32>
        %add3A_337 = arith.addf %add3A_329, %mul3A_336 : vector<16xf32>
        %get3A_338 = arith.constant 4 : i32
        %get3A_339 = arith.index_cast %get3A_338 : i32 to index
        %get3A_340 = arith.index_cast %scan3A_156 : i32 to index
        %get3A_341 = arith.constant 48 : index
        %get3A_342 = tpu.vector_load %arg10[%get3A_339, %get3A_340, %get3A_341] {strides = array<i32>} : memref<6x128x64xf32, #tpu.memory_space<vmem>>, vector<1x1x16xf32>,
        %get3A_343 = vector.shape_cast %get3A_342 : vector<1x1x16xf32> to vector<16xf32>
        %mul3A_344 = arith.mulf %get3A_171, %get3A_343 : vector<16xf32>
        %add3A_345 = arith.addf %add3A_337, %mul3A_344 : vector<16xf32>
        %swap3A_346 = arith.index_cast %scan3A_156 : i32 to index
        %swap3A_347 = arith.constant 64 : index
        %swap3A_348 = tpu.vector_load %arg11[%swap3A_346, %swap3A_347] {strides = array<i32>} : memref<128x96xf32, #tpu.memory_space<vmem>>, vector<1x16xf32>,
        %swap3A_349 = vector.shape_cast %swap3A_348 : vector<1x16xf32> to vector<16xf32>
        %swap3A_350 = vector.shape_cast %add3A_345 : vector<16xf32> to vector<1x16xf32>
        tpu.vector_store %arg11[%swap3A_346, %swap3A_347], %swap3A_350 {strides = array<i32>} : memref<128x96xf32, #tpu.memory_space<vmem>>, vector<1x16xf32>,
        %get3A_351 = arith.constant 5 : i32
        %get3A_352 = arith.index_cast %get3A_351 : i32 to index
        %get3A_353 = arith.index_cast %scan3A_156 : i32 to index
        %get3A_354 = arith.constant 0 : index
        %get3A_355 = tpu.vector_load %arg10[%get3A_352, %get3A_353, %get3A_354] {strides = array<i32>} : memref<6x128x64xf32, #tpu.memory_space<vmem>>, vector<1x1x16xf32>,
        %get3A_356 = vector.shape_cast %get3A_355 : vector<1x1x16xf32> to vector<16xf32>
        %mul3A_357 = arith.mulf %get3A_159, %get3A_356 : vector<16xf32>
        %get3A_358 = arith.constant 5 : i32
        %get3A_359 = arith.index_cast %get3A_358 : i32 to index
        %get3A_360 = arith.index_cast %scan3A_156 : i32 to index
        %get3A_361 = arith.constant 16 : index
        %get3A_362 = tpu.vector_load %arg10[%get3A_359, %get3A_360, %get3A_361] {strides = array<i32>} : memref<6x128x64xf32, #tpu.memory_space<vmem>>, vector<1x1x16xf32>,
        %get3A_363 = vector.shape_cast %get3A_362 : vector<1x1x16xf32> to vector<16xf32>
        %mul3A_364 = arith.mulf %get3A_163, %get3A_363 : vector<16xf32>
        %add3A_365 = arith.addf %mul3A_357, %mul3A_364 : vector<16xf32>
        %get3A_366 = arith.constant 5 : i32
        %get3A_367 = arith.index_cast %get3A_366 : i32 to index
        %get3A_368 = arith.index_cast %scan3A_156 : i32 to index
        %get3A_369 = arith.constant 32 : index
        %get3A_370 = tpu.vector_load %arg10[%get3A_367, %get3A_368, %get3A_369] {strides = array<i32>} : memref<6x128x64xf32, #tpu.memory_space<vmem>>, vector<1x1x16xf32>,
        %get3A_371 = vector.shape_cast %get3A_370 : vector<1x1x16xf32> to vector<16xf32>
        %mul3A_372 = arith.mulf %get3A_167, %get3A_371 : vector<16xf32>
        %add3A_373 = arith.addf %add3A_365, %mul3A_372 : vector<16xf32>
        %get3A_374 = arith.constant 5 : i32
        %get3A_375 = arith.index_cast %get3A_374 : i32 to index
        %get3A_376 = arith.index_cast %scan3A_156 : i32 to index
        %get3A_377 = arith.constant 48 : index
        %get3A_378 = tpu.vector_load %arg10[%get3A_375, %get3A_376, %get3A_377] {strides = array<i32>} : memref<6x128x64xf32, #tpu.memory_space<vmem>>, vector<1x1x16xf32>,
        %get3A_379 = vector.shape_cast %get3A_378 : vector<1x1x16xf32> to vector<16xf32>
        %mul3A_380 = arith.mulf %get3A_171, %get3A_379 : vector<16xf32>
        %add3A_381 = arith.addf %add3A_373, %mul3A_380 : vector<16xf32>
        %swap3A_382 = arith.index_cast %scan3A_156 : i32 to index
        %swap3A_383 = arith.constant 80 : index
        %swap3A_384 = tpu.vector_load %arg11[%swap3A_382, %swap3A_383] {strides = array<i32>} : memref<128x96xf32, #tpu.memory_space<vmem>>, vector<1x16xf32>,
        %swap3A_385 = vector.shape_cast %swap3A_384 : vector<1x16xf32> to vector<16xf32>
        %swap3A_386 = vector.shape_cast %add3A_381 : vector<16xf32> to vector<1x16xf32>
        tpu.vector_store %arg11[%swap3A_382, %swap3A_383], %swap3A_386 {strides = array<i32>} : memref<128x96xf32, #tpu.memory_space<vmem>>, vector<1x16xf32>,
      }
      %scan3A_154 = arith.constant 128 : i32
      %add3A_155 = arith.addi %mul3A_2, %multiple_of3A : i32
      "tpu.region"() ({
        %run_scoped3A = tpu.sem_alloc : memref<!tpu.dma_semaphore, #tpu.memory_space<semaphore_mem>>
        %dma_start3A_156 = arith.constant 0 : i32
        %dma_start3A_157 = tpu.memref_slice %arg6[%add3A_155, %dma_start3A_156] : memref<16384x96xf32, #tpu.memory_space<hbm>> -> memref<128x96xf32, #tpu.memory_space<hbm>>
        %dma_start3A_158 = arith.constant 0 : i32
        %dma_start3A_159 = tpu.memref_slice %arg6[%add3A_155, %dma_start3A_158] : memref<16384x96xf32, #tpu.memory_space<hbm>> -> memref<128x96xf32, #tpu.memory_space<hbm>>
        tpu.enqueue_dma source(%arg11 : memref<128x96xf32, #tpu.memory_space<vmem>>) target(%dma_start3A_159 : memref<128x96xf32, #tpu.memory_space<hbm>>) target_semaphore(%run_scoped3A : memref<!tpu.dma_semaphore, #tpu.memory_space<semaphore_mem>>)
        %dma_wait3A_160 = arith.constant 0 : i32
        %dma_wait3A_161 = tpu.memref_slice %arg6[%add3A_155, %dma_wait3A_160] : memref<16384x96xf32, #tpu.memory_space<hbm>> -> memref<128x96xf32, #tpu.memory_space<hbm>>
        %dma_wait3A_162 = arith.constant 0 : i32
        %dma_wait3A_163 = tpu.memref_slice %arg6[%add3A_155, %dma_wait3A_162] : memref<16384x96xf32, #tpu.memory_space<hbm>> -> memref<128x96xf32, #tpu.memory_space<hbm>>
        tpu.wait_dma2 semaphore(%run_scoped3A : memref<!tpu.dma_semaphore, #tpu.memory_space<semaphore_mem>>) src(%arg11 : memref<128x96xf32, #tpu.memory_space<vmem>>) dst(%dma_wait3A_163 : memref<128x96xf32, #tpu.memory_space<hbm>>)
        tpu.yield
      }) : () -> ()
    }
    %scan3A_7 = arith.constant 4 : i32
    return
  }
}

module attributes {stable_mosaic.version = 14 : i64} {
  func.func @_tc_loss(%arg0: i32, %arg1: memref<2048x96xf32, #tpu.memory_space<vmem>>, %arg2: memref<2048x5xf32, #tpu.memory_space<vmem>>, %arg3: memref<1x1xf32, #tpu.memory_space<smem>>, %arg4: memref<1x1xf32, #tpu.memory_space<smem>>) attributes {dimension_semantics = [#tpu.dimension_semantics<arbitrary>], iteration_bounds = array<i64: 8>, scalar_prefetch = 0 : i64, scratch_operands = 0 : i64, tpu.core_type = #tpu.core_type<tc>, window_params = [{transform_indices = @transform_0, window_bounds = array<i64: 2048, 96>}, {transform_indices = @transform_1, window_bounds = array<i64: 2048, 5>}, {transform_indices = @transform_2, window_bounds = array<i64: 1, 1>}, {transform_indices = @transform_3, window_bounds = array<i64: 1, 1>}]} {
    %get3A = arith.constant 0 : index
    %get3A_0 = arith.constant 0 : index
    %get3A_1 = vector.load %arg1[%get3A, %get3A_0] : memref<2048x96xf32, #tpu.memory_space<vmem>>, vector<2048x96xf32>
    %get3A_2 = arith.constant 0 : index
    %get3A_3 = arith.constant 0 : index
    %get3A_4 = vector.load %arg2[%get3A_2, %get3A_3] : memref<2048x5xf32, #tpu.memory_space<vmem>>, vector<2048x5xf32>
    %slice3A = vector.extract_strided_slice %get3A_1 {offsets = [0, 0], sizes = [2048, 16], strides = [1, 1]} : vector<2048x96xf32> to vector<2048x16xf32>
    %reduce_sum3A = arith.constant dense<0.000000e+00> : vector<2048xf32>
    %reduce_sum3A_5 = vector.multi_reduction <add>, %slice3A, %reduce_sum3A [1] : vector<2048x16xf32> to vector<2048xf32>
    %broadcast_in_dim3A = vector.shape_cast %reduce_sum3A_5 : vector<2048xf32> to vector<2048x1xf32>
    %slice3A_6 = vector.extract_strided_slice %get3A_1 {offsets = [0, 16], sizes = [2048, 16], strides = [1, 1]} : vector<2048x96xf32> to vector<2048x16xf32>
    %reduce_sum3A_7 = arith.constant dense<0.000000e+00> : vector<2048xf32>
    %reduce_sum3A_8 = vector.multi_reduction <add>, %slice3A_6, %reduce_sum3A_7 [1] : vector<2048x16xf32> to vector<2048xf32>
    %broadcast_in_dim3A_9 = vector.shape_cast %reduce_sum3A_8 : vector<2048xf32> to vector<2048x1xf32>
    %neg3A = arith.constant 0.000000e+00 : f32
    %neg3A_10 = vector.broadcast %neg3A : f32 to vector<2048x1xf32>
    %neg3A_11 = arith.subf %neg3A_10, %broadcast_in_dim3A_9 : vector<2048x1xf32>
    %slice3A_12 = vector.extract_strided_slice %get3A_4 {offsets = [0, 0], sizes = [2048, 1], strides = [1, 1]} : vector<2048x5xf32> to vector<2048x1xf32>
    %mul3A = arith.mulf %neg3A_11, %slice3A_12 : vector<2048x1xf32>
    %slice3A_13 = vector.extract_strided_slice %get3A_1 {offsets = [0, 32], sizes = [2048, 16], strides = [1, 1]} : vector<2048x96xf32> to vector<2048x16xf32>
    %reduce_sum3A_14 = arith.constant dense<0.000000e+00> : vector<2048xf32>
    %reduce_sum3A_15 = vector.multi_reduction <add>, %slice3A_13, %reduce_sum3A_14 [1] : vector<2048x16xf32> to vector<2048xf32>
    %broadcast_in_dim3A_16 = vector.shape_cast %reduce_sum3A_15 : vector<2048xf32> to vector<2048x1xf32>
    %neg3A_17 = arith.constant 0.000000e+00 : f32
    %neg3A_18 = vector.broadcast %neg3A_17 : f32 to vector<2048x1xf32>
    %neg3A_19 = arith.subf %neg3A_18, %broadcast_in_dim3A_16 : vector<2048x1xf32>
    %slice3A_20 = vector.extract_strided_slice %get3A_4 {offsets = [0, 1], sizes = [2048, 1], strides = [1, 1]} : vector<2048x5xf32> to vector<2048x1xf32>
    %mul3A_21 = arith.mulf %neg3A_19, %slice3A_20 : vector<2048x1xf32>
    %slice3A_22 = vector.extract_strided_slice %get3A_1 {offsets = [0, 48], sizes = [2048, 16], strides = [1, 1]} : vector<2048x96xf32> to vector<2048x16xf32>
    %reduce_sum3A_23 = arith.constant dense<0.000000e+00> : vector<2048xf32>
    %reduce_sum3A_24 = vector.multi_reduction <add>, %slice3A_22, %reduce_sum3A_23 [1] : vector<2048x16xf32> to vector<2048xf32>
    %broadcast_in_dim3A_25 = vector.shape_cast %reduce_sum3A_24 : vector<2048xf32> to vector<2048x1xf32>
    %neg3A_26 = arith.constant 0.000000e+00 : f32
    %neg3A_27 = vector.broadcast %neg3A_26 : f32 to vector<2048x1xf32>
    %neg3A_28 = arith.subf %neg3A_27, %broadcast_in_dim3A_25 : vector<2048x1xf32>
    %slice3A_29 = vector.extract_strided_slice %get3A_4 {offsets = [0, 2], sizes = [2048, 1], strides = [1, 1]} : vector<2048x5xf32> to vector<2048x1xf32>
    %mul3A_30 = arith.mulf %neg3A_28, %slice3A_29 : vector<2048x1xf32>
    %slice3A_31 = vector.extract_strided_slice %get3A_1 {offsets = [0, 64], sizes = [2048, 16], strides = [1, 1]} : vector<2048x96xf32> to vector<2048x16xf32>
    %reduce_sum3A_32 = arith.constant dense<0.000000e+00> : vector<2048xf32>
    %reduce_sum3A_33 = vector.multi_reduction <add>, %slice3A_31, %reduce_sum3A_32 [1] : vector<2048x16xf32> to vector<2048xf32>
    %broadcast_in_dim3A_34 = vector.shape_cast %reduce_sum3A_33 : vector<2048xf32> to vector<2048x1xf32>
    %neg3A_35 = arith.constant 0.000000e+00 : f32
    %neg3A_36 = vector.broadcast %neg3A_35 : f32 to vector<2048x1xf32>
    %neg3A_37 = arith.subf %neg3A_36, %broadcast_in_dim3A_34 : vector<2048x1xf32>
    %slice3A_38 = vector.extract_strided_slice %get3A_4 {offsets = [0, 3], sizes = [2048, 1], strides = [1, 1]} : vector<2048x5xf32> to vector<2048x1xf32>
    %mul3A_39 = arith.mulf %neg3A_37, %slice3A_38 : vector<2048x1xf32>
    %slice3A_40 = vector.extract_strided_slice %get3A_1 {offsets = [0, 80], sizes = [2048, 16], strides = [1, 1]} : vector<2048x96xf32> to vector<2048x16xf32>
    %reduce_sum3A_41 = arith.constant dense<0.000000e+00> : vector<2048xf32>
    %reduce_sum3A_42 = vector.multi_reduction <add>, %slice3A_40, %reduce_sum3A_41 [1] : vector<2048x16xf32> to vector<2048xf32>
    %broadcast_in_dim3A_43 = vector.shape_cast %reduce_sum3A_42 : vector<2048xf32> to vector<2048x1xf32>
    %neg3A_44 = arith.constant 0.000000e+00 : f32
    %neg3A_45 = vector.broadcast %neg3A_44 : f32 to vector<2048x1xf32>
    %neg3A_46 = arith.subf %neg3A_45, %broadcast_in_dim3A_43 : vector<2048x1xf32>
    %slice3A_47 = vector.extract_strided_slice %get3A_4 {offsets = [0, 4], sizes = [2048, 1], strides = [1, 1]} : vector<2048x5xf32> to vector<2048x1xf32>
    %mul3A_48 = arith.mulf %neg3A_46, %slice3A_47 : vector<2048x1xf32>
    %concatenate3A = tpu.concatenate %broadcast_in_dim3A, %mul3A, %mul3A_21, %mul3A_30, %mul3A_39, %mul3A_48 in 1 : vector<2048x1xf32>, vector<2048x1xf32>, vector<2048x1xf32>, vector<2048x1xf32>, vector<2048x1xf32>, vector<2048x1xf32> -> vector<2048x6xf32>
    %neg3A_49 = arith.constant 0.000000e+00 : f32
    %neg3A_50 = vector.broadcast %neg3A_49 : f32 to vector<2048x6xf32>
    %neg3A_51 = arith.subf %neg3A_50, %concatenate3A : vector<2048x6xf32>
    %custom_jvp_call3A = arith.constant 0.000000e+00 : f32
    %max3A = vector.broadcast %custom_jvp_call3A : f32 to vector<2048x6xf32>
    %max3A_52 = arith.maximumf %neg3A_51, %max3A : vector<2048x6xf32>
    %sub3A = vector.broadcast %custom_jvp_call3A : f32 to vector<2048x6xf32>
    %sub3A_53 = arith.subf %neg3A_51, %sub3A : vector<2048x6xf32>
    %ne3A = arith.cmpf one, %sub3A_53, %sub3A_53 : vector<2048x6xf32>
    %add3A = vector.broadcast %custom_jvp_call3A : f32 to vector<2048x6xf32>
    %add3A_54 = arith.addf %neg3A_51, %add3A : vector<2048x6xf32>
    %abs3A = math.absf %sub3A_53 : vector<2048x6xf32>
    %neg3A_55 = arith.constant 0.000000e+00 : f32
    %neg3A_56 = vector.broadcast %neg3A_55 : f32 to vector<2048x6xf32>
    %neg3A_57 = arith.subf %neg3A_56, %abs3A : vector<2048x6xf32>
    %exp3A = math.exp %neg3A_57 : vector<2048x6xf32>
    %log1p3A = math.log1p %exp3A : vector<2048x6xf32>
    %add3A_58 = arith.addf %max3A_52, %log1p3A : vector<2048x6xf32>
    %select_n3A = arith.select %ne3A, %add3A_54, %add3A_58 : vector<2048x6xi1>, vector<2048x6xf32>
    %neg3A_59 = arith.constant 0.000000e+00 : f32
    %neg3A_60 = vector.broadcast %neg3A_59 : f32 to vector<2048x6xf32>
    %neg3A_61 = arith.subf %neg3A_60, %select_n3A : vector<2048x6xf32>
    %neg3A_62 = arith.constant 0.000000e+00 : f32
    %neg3A_63 = vector.broadcast %neg3A_62 : f32 to vector<2048x6xf32>
    %neg3A_64 = arith.subf %neg3A_63, %neg3A_61 : vector<2048x6xf32>
    %slice3A_65 = vector.extract_strided_slice %neg3A_64 {offsets = [0, 0], sizes = [2048, 1], strides = [1, 1]} : vector<2048x6xf32> to vector<2048x1xf32>
    %reduce_sum3A_66 = vector.shape_cast %slice3A_65 : vector<2048x1xf32> to vector<1x2048x1xf32>
    %reduce_sum3A_67 = arith.constant dense<0.000000e+00> : vector<1xf32>
    %reduce_sum3A_68 = vector.multi_reduction <add>, %reduce_sum3A_66, %reduce_sum3A_67 [1, 2] : vector<1x2048x1xf32> to vector<1xf32>
    %reduce_sum3A_69 = vector.shape_cast %reduce_sum3A_68 : vector<1xf32> to vector<1x1x1xf32>
    %reduce_sum3A_70 = vector.extract %reduce_sum3A_69[0, 0, 0] : f32 from vector<1x1x1xf32>
    %slice3A_71 = vector.extract_strided_slice %neg3A_64 {offsets = [0, 1], sizes = [2048, 5], strides = [1, 1]} : vector<2048x6xf32> to vector<2048x5xf32>
    %reduce_sum3A_72 = vector.shape_cast %slice3A_71 : vector<2048x5xf32> to vector<1x2048x5xf32>
    %reduce_sum3A_73 = arith.constant dense<0.000000e+00> : vector<1xf32>
    %reduce_sum3A_74 = vector.multi_reduction <add>, %reduce_sum3A_72, %reduce_sum3A_73 [1, 2] : vector<1x2048x5xf32> to vector<1xf32>
    %reduce_sum3A_75 = vector.shape_cast %reduce_sum3A_74 : vector<1xf32> to vector<1x1x1xf32>
    %reduce_sum3A_76 = vector.extract %reduce_sum3A_75[0, 0, 0] : f32 from vector<1x1x1xf32>
    %eq3A = arith.constant 0 : i32
    %eq3A_77 = arith.cmpi eq, %arg0, %eq3A : i32
    %convert_element_type3A = arith.extui %eq3A_77 : i1 to i32
    %cond3A = arith.constant 0 : i32
    %cond3A_78 = arith.cmpi ne, %convert_element_type3A, %cond3A : i32
    scf.if %cond3A_78 {
      %swap3A_92 = arith.constant 0.000000e+00 : f32
      %swap3A_93 = arith.constant 0 : index
      %swap3A_94 = arith.constant 0 : index
      %swap3A_95 = memref.load %arg3[%swap3A_93, %swap3A_94] : memref<1x1xf32, #tpu.memory_space<smem>>
      memref.store %swap3A_92, %arg3[%swap3A_93, %swap3A_94] : memref<1x1xf32, #tpu.memory_space<smem>>
      %swap3A_96 = arith.constant 0.000000e+00 : f32
      %swap3A_97 = arith.constant 0 : index
      %swap3A_98 = arith.constant 0 : index
      %swap3A_99 = memref.load %arg4[%swap3A_97, %swap3A_98] : memref<1x1xf32, #tpu.memory_space<smem>>
      memref.store %swap3A_96, %arg4[%swap3A_97, %swap3A_98] : memref<1x1xf32, #tpu.memory_space<smem>>
    } else {
    }
    %get3A_79 = arith.constant 0 : index
    %get3A_80 = arith.constant 0 : index
    %get3A_81 = memref.load %arg3[%get3A_79, %get3A_80] : memref<1x1xf32, #tpu.memory_space<smem>>
    %add3A_82 = arith.addf %get3A_81, %reduce_sum3A_70 : f32
    %swap3A = arith.constant 0 : index
    %swap3A_83 = arith.constant 0 : index
    %swap3A_84 = memref.load %arg3[%swap3A, %swap3A_83] : memref<1x1xf32, #tpu.memory_space<smem>>
    memref.store %add3A_82, %arg3[%swap3A, %swap3A_83] : memref<1x1xf32, #tpu.memory_space<smem>>
    %get3A_85 = arith.constant 0 : index
    %get3A_86 = arith.constant 0 : index
    %get3A_87 = memref.load %arg4[%get3A_85, %get3A_86] : memref<1x1xf32, #tpu.memory_space<smem>>
    %add3A_88 = arith.addf %get3A_87, %reduce_sum3A_76 : f32
    %swap3A_89 = arith.constant 0 : index
    %swap3A_90 = arith.constant 0 : index
    %swap3A_91 = memref.load %arg4[%swap3A_89, %swap3A_90] : memref<1x1xf32, #tpu.memory_space<smem>>
    memref.store %add3A_88, %arg4[%swap3A_89, %swap3A_90] : memref<1x1xf32, #tpu.memory_space<smem>>
    return
  }
  func.func @transform_0(%arg0: i32) -> (i32, i32) {
    %c0_i32 = arith.constant 0 : i32
    %c0_i32_0 = arith.constant 0 : i32
    return %arg0, %c0_i32 : i32, i32
  }
  func.func @transform_1(%arg0: i32) -> (i32, i32) {
    %c0_i32 = arith.constant 0 : i32
    %c0_i32_0 = arith.constant 0 : i32
    return %arg0, %c0_i32 : i32, i32
  }
  func.func @transform_2(%arg0: i32) -> (i32, i32) {
    %c0_i32 = arith.constant 0 : i32
    %c0_i32_0 = arith.constant 0 : i32
    %c0_i32_1 = arith.constant 0 : i32
    return %c0_i32, %c0_i32_0 : i32, i32
  }
  func.func @transform_3(%arg0: i32) -> (i32, i32) {
    %c0_i32 = arith.constant 0 : i32
    %c0_i32_0 = arith.constant 0 : i32
    %c0_i32_1 = arith.constant 0 : i32
    return %c0_i32, %c0_i32_0 : i32, i32
  }
}

</mosaic_0001>

<sc_bundles>
// kernel: kernel.4.cloned.1.call-start
scs
__scs_entry_jumppad:
0x0: {  	(pc) =	sbr.rel $0x88, $3  }
0x1: {  	(tag) =	ssettag $0x0;
	lr =	simm.s32 $0x1  }
0x2: {  	[smem:$0x3F9E] =	sst lr;
	_ =	strace $0xD0000000  }
0x3: {  	_ = 	snop  }
0x4: {  	_ = 	snop  }
0x5: {  	_ = 	snop  }
0x6: {  	_ = 	snop  }
0x7: {  	_ = 	snop  }
__scs_overlays_trampoline_lowered:
0x8: {  	[smem:$0x3FAD] =	sst s0  }
0x9: {  	[smem:$0x3FAE] =	sst s1  }
0xa: {  	[smem:$0x3FAF] =	sst s2  }
0xb: {  	[smem:$0x3FB0] =	sst s3  }
0xc: {  	[smem:$0x3FB1] =	sst s4  }
0xd: {  	[smem:$0x3FB2] =	sst s5  }
0xe: {  	[smem:$0x3FB3] =	sst s6  }
0xf: {  	[smem:$0x3FB4] =	sst s7  }
0x10: {  	[smem:$0x3FB5] =	sst s8  }
0x11: {  	[smem:$0x3FB6] =	sst s9;
	s0 =	simm.s32 @!p0 $0x0  }
0x12: {  	s1 =	sld [smem:$0x3F9C];
	s0 =	simm.s32 @p0 $0x1  }
0x13: {  	[smem:$0x3FB7] =	sst s0;
	s0 =	simm.s32 @!p1 $0x0  }
0x14: {  	s2 =	sld [smem:$0x3F9B];
	s0 =	simm.s32 @p1 $0x1  }
0x15: {  	[smem:$0x3FB8] =	sst s0;
	s0 =	simm.s32 @!p2 $0x0  }
0x16: {  	s3 =	sld [smem:$0x3FDB];
	s0 =	simm.s32 @p2 $0x1  }
0x17: {  	s4 =	simm.s32 $0x1BF5;
	[smem:$0x3FBA] =	sst s0  }
0x18: {  	s0 =	sld [smem:$0x3F9D];
	_ =	swait.ge [sflag:s4], $0x0  }
0x19: {  	s7 =	sld [smem:$0x3F9E]  }
0x1a: {  	s8 =	sadd.s32 $0xFFFFE003, lr  }
0x1b: {  	s9 =	sadd.s32 $0xFFFFFEF7, lr;
	s5 =	simm.s32 $0xFFFFFFFF;
	p2 =	slt.u32 s8, $0xFFFFF086  }
0x1c: {  	p1 =	slt.u32 s9, $0xF7A;
	s5 =	simm.s32 @!p2 $0x0  }
0x1d: {  	s5 =	simm.s32 @p1 $0x1;
	p0 =	seq.s32 s7, s2  }
0x1e: {  	s7 =	smul.u32 @!p0 $0xF7A, s2;
	p2 =	seq.s32 @!p0 s5, $0x0  }
0x1f: {  	s9 =	smul.u32 $0xF7A, s1;
	s8 =	simm.s32 @!p0 $0x1BF5;
	p2 =	por !p2, p0  }
0x20: {  	[sflag:s8] =	ssyncset.s32 @!p0 $0xFFFFF086;
	s6 =	sadd.s32 @!p0 s3, s7;
	s7 =	simm.s32 @!p0 $0x108  }
0x21: {  	s3 =	sadd.s32 s3, s9;
	s6 =	sadd.s32 @!p0 $0x88, s6;
	s7 =	simm.s32 @p2 $0x1082  }
0x22: {  	[simem:s7], [sflag:s8] =	dma.local @!p0 [hbm:s6], $0xF7A  }
0x23: {  	s9 =	sor.u32 $0xD0000000, s2;
	s6 =	simm.s32 $0x108;
	_ =	swait.ge @!p0 [sflag:s8], $0x0  }
0x24: {  	s3 =	sadd.s32 $0x88, s3;
	s6 =	simm.s32 @!p1 $0x1082;
	[sflag:s4] =	ssyncset.s32 $0xFFFFF086  }
0x25: {  	[simem:s6], [sflag:s4] =	dma.local [hbm:s3], $0xF7A  }
0x26: {  	[smem:$0x3F9E] =	sst s1;
	(tag) =	ssettag s2;
	_ =	strace s9  }
0x27: {  	s1 =	sld [smem:$0x3FAE]  }
0x28: {  	s2 =	sld [smem:$0x3FAF]  }
0x29: {  	s4 =	sld [smem:$0x3FB1]  }
0x2a: {  	p0 =	seq.s32 s5, $0x0;
	s5 =	sld [smem:$0x3FB2]  }
0x2b: {  	s6 =	sld [smem:$0x3FB3]  }
0x2c: {  	s7 =	sld [smem:$0x3FB4]  }
0x2d: {  	s3 =	simm.s32 $0x108;
	s8 =	sld [smem:$0x3FB5]  }
0x2e: {  	s3 =	simm.s32 @!p0 $0x1082;
	s9 =	sld [smem:$0x3FB6]  }
0x2f: {  	lr =	sadd.s32 s0, s3;
	s0 =	sld [smem:$0x3FAD]  }
0x30: {  	s3 =	sld [smem:$0x3FB0]  }
0x31: {  	[smem:$0x3FB9] =	sst s10  }
0x32: {  	s10 =	sld [smem:$0x3FB7];
	_ =	sdelay $0x3  }
0x33: {  	p0 =	seq.s32 s10, $0x1;
	s10 =	sld [smem:$0x3FB9];
	_ =	sdelay $0x3  }
0x34: {  	[smem:$0x3FB9] =	sst s10  }
0x35: {  	s10 =	sld [smem:$0x3FB8];
	_ =	sdelay $0x3  }
0x36: {  	p1 =	seq.s32 s10, $0x1;
	s10 =	sld [smem:$0x3FB9];
	_ =	sdelay $0x3  }
0x37: {  	[smem:$0x3FB9] =	sst s10  }
0x38: {  	s10 =	sld [smem:$0x3FBA]  }
0x39: {  	_ = 	snop;
	(pc) =	sbr.ind lr, $3  }
0x3a: {  	_ = 	snop  }
0x3b: {  	_ = 	snop  }
0x3c: {  	p2 =	seq.s32 s10, $0x1;
	s10 =	sld [smem:$0x3FB9]  }
0x3d: {  	_ =	shalt  }
0x3e: {  	_ =	shalt  }
0x3f: {  	_ =	shalt  }
0x40: {  	_ =	shalt  }
0x41: {  	_ =	shalt  }
0x42: {  	_ =	shalt  }
0x43: {  	_ =	shalt  }
0x44: {  	_ =	shalt  }
0x45: {  	_ =	shalt  }
0x46: {  	_ =	shalt  }
0x47: {  	_ =	shalt  }
0x48: {  	_ =	shalt  }
0x49: {  	_ =	shalt  }
0x4a: {  	_ =	shalt  }
0x4b: {  	_ =	shalt  }
0x4c: {  	_ =	shalt  }
0x4d: {  	_ =	shalt  }
0x4e: {  	_ =	shalt  }
0x4f: {  	_ =	shalt  }
0x50: {  	_ =	shalt  }
0x51: {  	_ =	shalt  }
0x52: {  	_ =	shalt  }
0x53: {  	_ =	shalt  }
0x54: {  	_ =	shalt  }
0x55: {  	_ =	shalt  }
0x56: {  	_ =	shalt  }
0x57: {  	_ =	shalt  }
0x58: {  	_ =	shalt  }
0x59: {  	_ =	shalt  }
0x5a: {  	_ =	shalt  }
0x5b: {  	_ =	shalt  }
0x5c: {  	_ =	shalt  }
0x5d: {  	_ =	shalt  }
0x5e: {  	_ =	shalt  }
0x5f: {  	_ =	shalt  }
0x60: {  	_ =	shalt  }
0x61: {  	_ =	shalt  }
0x62: {  	_ =	shalt  }
0x63: {  	_ =	shalt  }
0x64: {  	_ =	shalt  }
0x65: {  	_ =	shalt  }
0x66: {  	_ =	shalt  }
0x67: {  	_ =	shalt  }
0x68: {  	_ =	shalt  }
0x69: {  	_ =	shalt  }
0x6a: {  	_ =	shalt  }
0x6b: {  	_ =	shalt  }
0x6c: {  	_ =	shalt  }
0x6d: {  	_ =	shalt  }
0x6e: {  	_ =	shalt  }
0x6f: {  	_ =	shalt  }
0x70: {  	_ =	shalt  }
0x71: {  	_ =	shalt  }
0x72: {  	_ =	shalt  }
0x73: {  	_ =	shalt  }
0x74: {  	_ =	shalt  }
0x75: {  	_ =	shalt  }
0x76: {  	_ =	shalt  }
0x77: {  	_ =	shalt  }
0x78: {  	_ =	shalt  }
0x79: {  	_ =	shalt  }
0x7a: {  	_ =	shalt  }
0x7b: {  	_ =	shalt  }
0x7c: {  	_ =	shalt  }
0x7d: {  	_ =	shalt  }
0x7e: {  	_ =	shalt  }
0x7f: {  	_ =	shalt  }
0x80: {  	_ =	shalt  }
0x81: {  	_ =	shalt  }
0x82: {  	_ =	shalt  }
0x83: {  	_ =	shalt  }
0x84: {  	_ =	shalt  }
0x85: {  	_ =	shalt  }
0x86: {  	_ =	shalt  }
0x87: {  	_ =	shalt  }
.Lfunc_end0:
.L_simem_size_0:
called_computation_lowered:
.L_overlay_start_0:
0x88: {  	s2 =	sld [smem:$0x3FD9]  }
0x89: {  	s3 =	sld [smem:$0x3FFE];
	_ =	sdelay $0x1  }
0x8a: {  	s1 =	srdreg.scid  }
0x8b: {  	s0 =	sand.u32 $0x1, s1  }
0x8c: {  	s16 =	sshll.u32 s0, $0xA;
	s2 =	sadd.s32 s3, s2  }
0x8d: {  	s2 =	sadd.s32 s2, s16  }
0x8e: {  	[smem:$0x3FC5] =	sst s2  }
0x8f: {  	_ = 	snop  }
0x90: {  	(tm) =	ssettm $0x1  }
0x91: {  	s17 =	sld [smem:$0x3FFB];
	_ =	sdelay $0x3  }
0x92: {  	_ =	strace s17  }
0x93: {  	s2 =	sld [smem:$0x3FFC];
	_ =	sdelay $0x3  }
0x94: {  	_ =	strace s2  }
0x95: {  	s2 =	sld [smem:$0x3FFD];
	_ =	sdelay $0x3  }
0x96: {  	_ =	strace s2  }
0x97: {  	_ =	strace $0x8FFFFFFF  }
0x98: {  	s18 =	sld [smem:$0x3FDB];
	_ =	sdelay $0x1  }
0x99: {  	s19 =	simm.s32 $_scs_section_size  }
0x9a: {  	s4 =	simm.s32 $_size__tile_overlayer_lowered;
	s5 =	simm.s32 $_tile_overlayer_lowered  }
0x9b: {  	s22 =	simm.s32 $0x1BFF;
	s21 =	sshll.u32 s5, $0x1;
	s2 =	sadd.s32 s19, s18  }
0x9c: {  	s6 =	simm.s32 $0x0;
	s20 =	sshll.u32 s4, $0x1;
	s4 =	sadd.s32 s21, s2  }
0x9d: {  	[timem:s6], [sflag:s22] =	dma.local [hbm:s4], s20  }
0x9e: {  	_ =	swait.ge [sflag:s22], s20  }
0x9f: {  	s3 =	ssub.s32 $0x0, s20;
	[sflag:s22] =	ssyncset.done $0x0  }
0xa0: {  	[sflag:s22] =	ssyncadd.s32 s3;
	_ =	sdelay $0x1  }
0xa1: {  	s23 =	simm.s32 $0x1B8B  }
0xa2: {  	_ =	swait.ge [sflag:s23], $0x1  }
0xa3: {  	[sflag:s23] =	ssyncset.done $0x0  }
0xa4: {  	s25 =	simm.s32 $0x1B8E;
	s24 =	sld [smem:$0x3FFE];
	[sflag:s23] =	ssyncadd.s32 $0xFFFFFFFF  }
0xa5: {  	s26 =	simm.s32 $execute0_lowered;
	[smem:$0x3FD2] =	sst s25  }
0xa6: {  	s4 =	sshll.u32 s26, $0x1;
	_ =	strace $0x80000046;
	[dreg:$0x1] =	wrdreg $0xFFFFFFFF  }
0xa7: {  	s28 =	simm.s32 $_size_execute0_lowered;
	s2 =	sadd.s32 s2, s4;
	[dreg:$0x0] =	wrdreg $0x0  }
0xa8: {  	s4 =	sshll.u32 s28, $0x1;
	[dreg:$0x2] =	wrdreg s2  }
0xa9: {  	[dreg:$0x3] =	wrdreg s4  }
0xaa: {  	[dreg:$0x4] =	wrdreg $0xC0  }
0xab: {  	_ =	task [dreg:s6], $0x5FFFF  }
0xac: {  	[dreg:$0x1] =	wrdreg $0xFFFFFFFF  }
0xad: {  	[dreg:$0x0] =	wrdreg $0x60  }
0xae: {  	[dreg:$0x2] =	wrdreg s24  }
0xaf: {  	[dreg:$0x3] =	wrdreg $0x9  }
0xb0: {  	_ =	task.clear_ibuf [dreg:s6], $0x4FFFF;
	_ =	strace $0x90000046  }
0xb1: {  	s29 =	simm.s32 $0x9;
	_ =	strace $0x80000048  }
0xb2: {  	_ =	swait.ge [sflag:s29], $0x1  }
0xb3: {  	[sflag:s29] =	ssyncadd.s32 $0xFFFFFFFF  }
0xb4: {  	_ =	strace $0x90000048  }
0xb5: {  	_ =	sfence  }
0xb6: {  	s30 =	sld [smem:$0x0];
	_ =	sdelay $0x2  }
0xb7: {  	s31 =	sshll.u32 s1, $0xD;
	s1 =	sshrl.u32 s1, $0x2  }
0xb8: {  	s3 =	sand.u32 $0x4000, s31;
	s1 =	sadd.s32 s1, s30  }
0xb9: {  	s0 =	sor.u32 s3, s0;
	s1 =	sshll.u32 s1, $0x11  }
0xba: {  	s0 =	sor.u32 s1, s0  }
0xbb: {  	s0 =	sadd.s32 $0x8F2B, s0  }
0xbc: {  	[sflag:s0] =	ssyncadd.remote.s32 $0x1  }
0xbd: {  	_ =	sfence.sel $0xFFFF  }
0xbe: {  	[dreg:$0x0] =	wrdreg $0xFFFFFFFF;
	(pc) =	sbr.abs _section_cstart, $3  }
0xbf: {  	[dreg:$0x1] =	wrdreg $0xFFFFFFFF  }
0xc0: {  	_ =	task.clear_ibuf [dreg:s6], $0x2FFFF;
	_ =	strace $0x9FFFFFFF  }
0xc1: {  	(tm) =	ssettm $0x7FFFFFFF  }
tec
execute0_lowered:
.L_overlay_start_1:
0x0: {  	(tag) =	ssettag $0x1  }
0x1: {  	s6 =	rddreg [dreg:$0x0]  }
0x2: {  	s2 =	srdreg.scid;
	s0 =	rddreg [dreg:$0x1]  }
0x3: {  	s1 =	stileid.u32;
	s10 =	simm.s32 $0x2;
	s11 =	simm.s32 $0x4000  }
0x4: {  	s12 =	simm.s32 $0x200;
	s13 =	simm.s32 $0x80;
	s14 =	simm.s32 $0xE00  }
0x5: {  	s15 =	simm.s32 $0x2E00;
	s16 =	simm.s32 $0x4E00;
	s17 =	simm.s32 $0x6E00  }
0x6: {  	s18 =	simm.s32 $0x8E00;
	s19 =	simm.s32 $0xAE00;
	s20 =	simm.s32 $0xCE00  }
0x7: {  	s21 =	simm.s32 $0x1;
	s22 =	simm.s32 $0xEE00;
	s23 =	simm.s32 $0x0  }
0x8: {  	s5 =	sand.u32 $0x1, s2;
	s2 =	simm.s32 $0x0;
	s3 =	sshll.u32 s1, $0xA  }
0x9: {  	s4 =	sshll.u32 s5, $0x9;
	[smem:$0x7FF] =	sst s2;
	s7 =	ssub.s32 $0x2, s5  }
0xa: {  	s5 =	sadd.s32 $0xF47600, s6;
	s3 =	sor.u32 s4, s3;
	s9 =	sshrl.u32 s7, $0x1  }
0xb: {  	_ =	strace $0x80000047;
	s4 =	sshrl.u32 s3, $0x3;
	s9 =	ssub.s32 s7, s9  }
0xc: {  	s8 =	sadd.s32 s4, s6;
	s4 =	sadd.s32 $0x16E8800, s6;
	s6 =	sadd.s32 $0x5200, s6  }
0xd: {  	s9 =	smax.u32 s9, $0x1;
	s7 =	sadd.s32 $0x4A00, s8;
	s8 =	sadd.s32 $0xA00, s8  }
.LBB2_1:
0xe: {  	[tilespmem:s2], [sflag:$0x2] =	stream.linear.gather [hbm4b:s7+s2], $0x200, $0x38;
	[tilespmem:$0x11E00] =	vst v63  }
0xf: {  	_ =	swait.ge [sflag:s10], $0x200  }
0x10: {  	[sflag:s10] =	ssyncset.done $0x0  }
0x11: {  	[sflag:s10] =	ssyncadd.s32 $0xFFFFFE00  }
0x12: {  	[tilespmem:s12], [sflag:$0x2] =	stream.strided.gather [hbm4b:s8+s12], $0xC00, s11, s12, $0x38;
	[tilespmem:$0x11E00] =	vst v63  }
0x13: {  	_ =	swait.ge [sflag:s10], $0xC00  }
0x14: {  	[sflag:s10] =	ssyncset.done $0x0  }
0x15: {  	s24 =	simm.s32 $0x0;
	[sflag:s10] =	ssyncadd.s32 $0xFFFFF400  }
.LBB2_2:
0x16: {  	s25 =	sshll.u32 s24, $0x7  }
0x17: {  	[tilespmem:s14], [sflag:$0x1] =	stream.indirect.gather [hbm4b:s4+s13], $0x40, s25, s13, $0xb8;
	[tilespmem:$0x11E00] =	vst v63  }
0x18: {  	s26 =	sadd.s32 $0x200, s25  }
0x19: {  	[tilespmem:s15], [sflag:$0x1] =	stream.indirect.gather [hbm4b:s5+s13], $0x40, s26, s13, $0xb8;
	[tilespmem:$0x11E00] =	vst v63  }
0x1a: {  	s31 =	sadd.s32 $0x400, s25  }
0x1b: {  	[tilespmem:s16], [sflag:$0x1] =	stream.indirect.gather [hbm4b:s5+s13], $0x40, s31, s13, $0xb8;
	[tilespmem:$0x11E00] =	vst v63  }
0x1c: {  	s30 =	sadd.s32 $0x600, s25  }
0x1d: {  	[tilespmem:s17], [sflag:$0x1] =	stream.indirect.gather [hbm4b:s5+s13], $0x40, s30, s13, $0xb8;
	[tilespmem:$0x11E00] =	vst v63  }
0x1e: {  	s31 =	sadd.s32 $0x800, s25  }
0x1f: {  	[tilespmem:s18], [sflag:$0x1] =	stream.indirect.gather [hbm4b:s5+s13], $0x40, s31, s13, $0xb8;
	[tilespmem:$0x11E00] =	vst v63  }
0x20: {  	s30 =	sadd.s32 $0xA00, s25  }
0x21: {  	[tilespmem:s19], [sflag:$0x1] =	stream.indirect.gather [hbm4b:s5+s13], $0x40, s30, s13, $0xb8;
	[tilespmem:$0x11E00] =	vst v63  }
0x22: {  	s31 =	sadd.s32 $0xC00, s25  }
0x23: {  	[tilespmem:s20], [sflag:$0x1] =	stream.indirect.gather [hbm4b:s5+s13], $0x40, s31, s13, $0xb8;
	[tilespmem:$0x11E00] =	vst v63  }
0x24: {  	_ =	swait.ge [sflag:s21], $0x2000  }
0x25: {  	[sflag:s21] =	ssyncset.done $0x0  }
0x26: {  	[sflag:s21] =	ssyncadd.s32 $0xFFFFE000  }
0x27: {  	_ =	swait.ge [sflag:s21], $0x2000  }
0x28: {  	[sflag:s21] =	ssyncset.done $0x0  }
0x29: {  	[sflag:s21] =	ssyncadd.s32 $0xFFFFE000  }
0x2a: {  	_ =	swait.ge [sflag:s21], $0x2000  }
0x2b: {  	[sflag:s21] =	ssyncset.done $0x0  }
0x2c: {  	[sflag:s21] =	ssyncadd.s32 $0xFFFFE000  }
0x2d: {  	_ =	swait.ge [sflag:s21], $0x2000  }
0x2e: {  	[sflag:s21] =	ssyncset.done $0x0  }
0x2f: {  	[sflag:s21] =	ssyncadd.s32 $0xFFFFE000  }
0x30: {  	_ =	swait.ge [sflag:s21], $0x2000  }
0x31: {  	[sflag:s21] =	ssyncset.done $0x0  }
0x32: {  	[sflag:s21] =	ssyncadd.s32 $0xFFFFE000  }
0x33: {  	_ =	swait.ge [sflag:s21], $0x2000  }
0x34: {  	[sflag:s21] =	ssyncset.done $0x0  }
0x35: {  	[sflag:s21] =	ssyncadd.s32 $0xFFFFE000  }
0x36: {  	_ =	swait.ge [sflag:s21], $0x2000  }
0x37: {  	[sflag:s21] =	ssyncset.done $0x0  }
0x38: {  	s28 =	simm.s32 $0x0;
	[sflag:s21] =	ssyncadd.s32 $0xFFFFE000  }
0x39: {  	v3 =	vld [tilespmem:s28+$0xE10]  }
0x3a: {  	v4 =	vld [tilespmem:s28+$0x2E10]  }
0x3b: {  	v5 =	vld [tilespmem:s28+$0x2E00]  }
0x3c: {  	v2 =	vld [tilespmem:s28+$0xE00]  }
0x3d: {  	v6 =	vld [tilespmem:s28+$0x2E20]  }
0x3e: {  	v0 =	vld [tilespmem:s28+$0xE20]  }
0x3f: {  	v7 =	vld [tilespmem:s28+$0x2E30]  }
0x40: {  	v1 =	vld [tilespmem:s28+$0xE30]  }
0x41: {  	v5 =	vmul.f32 v5, v2;
	v4 =	vmul.f32 v4, v3;
	_ =	sdelay $0x1  }
0x42: {  	v4 =	vadd.f32 v4, v5;
	v5 =	vmul.f32 v6, v0;
	_ =	sdelay $0x1  }
0x43: {  	v4 =	vadd.f32 v5, v4;
	v5 =	vmul.f32 v7, v1;
	_ =	sdelay $0x1  }
0x44: {  	v4 =	vadd.f32 v5, v4  }
0x45: {  	s26 =	simm.s32 $0xEE30  }
0x46: {  	[tilespmem:s26+$0xFFFFFFD0] =	vst v4  }
0x47: {  	v4 =	vld [tilespmem:s28+$0x4E00]  }
0x48: {  	v5 =	vld [tilespmem:s28+$0x4E10];
	_ =	sdelay $0x1  }
0x49: {  	v6 =	vld [tilespmem:s28+$0x4E20];
	_ =	sdelay $0x1  }
0x4a: {  	v7 =	vld [tilespmem:s28+$0x4E30]  }
0x4b: {  	v4 =	vmul.f32 v4, v2;
	v5 =	vmul.f32 v5, v3;
	_ =	sdelay $0x1  }
0x4c: {  	v4 =	vadd.f32 v5, v4;
	v5 =	vmul.f32 v6, v0;
	_ =	sdelay $0x1  }
0x4d: {  	v4 =	vadd.f32 v5, v4;
	v5 =	vmul.f32 v7, v1;
	_ =	sdelay $0x1  }
0x4e: {  	v4 =	vadd.f32 v5, v4;
	_ =	sdelay $0x1  }
0x4f: {  	[tilespmem:s26+$0xFFFFFFE0] =	vst v4  }
0x50: {  	v4 =	vld [tilespmem:s28+$0x6E00]  }
0x51: {  	v5 =	vld [tilespmem:s28+$0x6E10];
	_ =	sdelay $0x1  }
0x52: {  	v6 =	vld [tilespmem:s28+$0x6E20];
	_ =	sdelay $0x1  }
0x53: {  	v7 =	vld [tilespmem:s28+$0x6E30]  }
0x54: {  	v4 =	vmul.f32 v4, v2;
	v5 =	vmul.f32 v5, v3;
	_ =	sdelay $0x1  }
0x55: {  	v4 =	vadd.f32 v5, v4;
	v5 =	vmul.f32 v6, v0;
	_ =	sdelay $0x1  }
0x56: {  	v4 =	vadd.f32 v5, v4;
	v5 =	vmul.f32 v7, v1;
	_ =	sdelay $0x1  }
0x57: {  	v4 =	vadd.f32 v5, v4;
	_ =	sdelay $0x1  }
0x58: {  	[tilespmem:s26+$0xFFFFFFF0] =	vst v4  }
0x59: {  	v4 =	vld [tilespmem:s28+$0x8E00]  }
0x5a: {  	v5 =	vld [tilespmem:s28+$0x8E10];
	_ =	sdelay $0x1  }
0x5b: {  	v6 =	vld [tilespmem:s28+$0x8E20];
	_ =	sdelay $0x1  }
0x5c: {  	v7 =	vld [tilespmem:s28+$0x8E30]  }
0x5d: {  	v4 =	vmul.f32 v4, v2;
	v5 =	vmul.f32 v5, v3;
	_ =	sdelay $0x1  }
0x5e: {  	v4 =	vadd.f32 v5, v4;
	v5 =	vmul.f32 v6, v0;
	_ =	sdelay $0x1  }
0x5f: {  	v4 =	vadd.f32 v5, v4;
	v5 =	vmul.f32 v7, v1;
	_ =	sdelay $0x1  }
0x60: {  	v4 =	vadd.f32 v5, v4;
	_ =	sdelay $0x1  }
0x61: {  	[tilespmem:s26+$0x0] =	vst v4  }
0x62: {  	v4 =	vld [tilespmem:s28+$0xAE00]  }
0x63: {  	v5 =	vld [tilespmem:s28+$0xAE10];
	_ =	sdelay $0x1  }
0x64: {  	v6 =	vld [tilespmem:s28+$0xAE20];
	_ =	sdelay $0x1  }
0x65: {  	v7 =	vld [tilespmem:s28+$0xAE30]  }
0x66: {  	v4 =	vmul.f32 v4, v2;
	v5 =	vmul.f32 v5, v3;
	_ =	sdelay $0x1  }
0x67: {  	v4 =	vadd.f32 v5, v4;
	v5 =	vmul.f32 v6, v0;
	_ =	sdelay $0x1  }
0x68: {  	v4 =	vadd.f32 v5, v4;
	v5 =	vmul.f32 v7, v1;
	_ =	sdelay $0x1  }
0x69: {  	v4 =	vadd.f32 v5, v4;
	_ =	sdelay $0x1  }
0x6a: {  	[tilespmem:s26+$0x10] =	vst v4  }
0x6b: {  	v7 =	vld [tilespmem:s28+$0xCE10];
	_ =	sdelay $0x1  }
0x6c: {  	v6 =	vld [tilespmem:s28+$0xCE00];
	_ =	sdelay $0x1  }
0x6d: {  	v5 =	vld [tilespmem:s28+$0xCE20]  }
0x6e: {  	s29 =	simm.s32 $0x100;
	v4 =	vld [tilespmem:s28+$0xCE30];
	s28 =	simm.s32 $0xEE30;
	v3 =	vmul.f32 v7, v3  }
.LBB2_3:
0x6f: {  	p0 =	sne.s32 s29, $0x7F00  }
0x70: {  	v2 =	vmul.f32 v6, v2;
	s26 =	sadd.s32 $0x60, s26;
	s30 =	smov.u32 s29;
	s29 =	sadd.s32 $0x100, s29  }
0x71: {  	_ = 	snop  }
0x72: {  	v0 =	vmul.f32 v5, v0;
	v2 =	vadd.f32 v3, v2;
	_ =	sdelay $0x1  }
0x73: {  	v1 =	vmul.f32 v4, v1;
	v0 =	vadd.f32 v0, v2;
	_ =	sdelay $0x1  }
0x74: {  	v0 =	vadd.f32 v1, v0;
	_ =	sdelay $0x1  }
0x75: {  	s30 =	sshra.s32 s30, $0x2;
	[tilespmem:s28+$0x20] =	vst v0;
	s28 =	smov.u32 s26  }
0x76: {  	v3 =	vld [tilespmem:s30+$0xE10]  }
0x77: {  	v4 =	vld [tilespmem:s30+$0x2E10]  }
0x78: {  	v5 =	vld [tilespmem:s30+$0x2E00]  }
0x79: {  	v2 =	vld [tilespmem:s30+$0xE00]  }
0x7a: {  	v6 =	vld [tilespmem:s30+$0x2E20]  }
0x7b: {  	v0 =	vld [tilespmem:s30+$0xE20]  }
0x7c: {  	v7 =	vld [tilespmem:s30+$0x2E30]  }
0x7d: {  	v1 =	vld [tilespmem:s30+$0xE30]  }
0x7e: {  	v4 =	vmul.f32 v4, v3;
	v5 =	vmul.f32 v5, v2;
	_ =	sdelay $0x1  }
0x7f: {  	v4 =	vadd.f32 v4, v5;
	v5 =	vmul.f32 v6, v0;
	_ =	sdelay $0x1  }
0x80: {  	v4 =	vadd.f32 v5, v4;
	v5 =	vmul.f32 v7, v1;
	_ =	sdelay $0x1  }
0x81: {  	v4 =	vadd.f32 v5, v4;
	_ =	sdelay $0x1  }
0x82: {  	[tilespmem:s26+$0xFFFFFFD0] =	vst v4  }
0x83: {  	v4 =	vld [tilespmem:s30+$0x4E00]  }
0x84: {  	v5 =	vld [tilespmem:s30+$0x4E10];
	_ =	sdelay $0x1  }
0x85: {  	v6 =	vld [tilespmem:s30+$0x4E20];
	_ =	sdelay $0x1  }
0x86: {  	v4 =	vmul.f32 v4, v2;
	v7 =	vld [tilespmem:s30+$0x4E30]  }
0x87: {  	v5 =	vmul.f32 v5, v3;
	_ =	sdelay $0x1  }
0x88: {  	v4 =	vadd.f32 v5, v4;
	v5 =	vmul.f32 v6, v0;
	_ =	sdelay $0x1  }
0x89: {  	v4 =	vadd.f32 v5, v4;
	v5 =	vmul.f32 v7, v1;
	_ =	sdelay $0x1  }
0x8a: {  	v4 =	vadd.f32 v5, v4;
	_ =	sdelay $0x1  }
0x8b: {  	[tilespmem:s26+$0xFFFFFFE0] =	vst v4  }
0x8c: {  	v4 =	vld [tilespmem:s30+$0x6E00]  }
0x8d: {  	v5 =	vld [tilespmem:s30+$0x6E10]  }
0x8e: {  	v6 =	vld [tilespmem:s30+$0x6E20];
	_ =	sdelay $0x2  }
0x8f: {  	v4 =	vmul.f32 v4, v2;
	v7 =	vld [tilespmem:s30+$0x6E30]  }
0x90: {  	v5 =	vmul.f32 v5, v3;
	_ =	sdelay $0x1  }
0x91: {  	v4 =	vadd.f32 v5, v4;
	v5 =	vmul.f32 v6, v0;
	_ =	sdelay $0x1  }
0x92: {  	v4 =	vadd.f32 v5, v4;
	v5 =	vmul.f32 v7, v1;
	_ =	sdelay $0x1  }
0x93: {  	v4 =	vadd.f32 v5, v4;
	_ =	sdelay $0x1  }
0x94: {  	[tilespmem:s26+$0xFFFFFFF0] =	vst v4  }
0x95: {  	v4 =	vld [tilespmem:s30+$0x8E00]  }
0x96: {  	v5 =	vld [tilespmem:s30+$0x8E10]  }
0x97: {  	v6 =	vld [tilespmem:s30+$0x8E30]  }
0x98: {  	v7 =	vld [tilespmem:s30+$0x8E20];
	_ =	sdelay $0x1  }
0x99: {  	v4 =	vmul.f32 v4, v2  }
0x9a: {  	v5 =	vmul.f32 v5, v3;
	_ =	sdelay $0x1  }
0x9b: {  	v4 =	vadd.f32 v5, v4;
	v5 =	vmul.f32 v7, v0;
	_ =	sdelay $0x1  }
0x9c: {  	v4 =	vadd.f32 v5, v4;
	v5 =	vmul.f32 v6, v1;
	_ =	sdelay $0x1  }
0x9d: {  	v4 =	vadd.f32 v5, v4;
	_ =	sdelay $0x1  }
0x9e: {  	[tilespmem:s26+$0x0] =	vst v4  }
0x9f: {  	v4 =	vld [tilespmem:s30+$0xAE00]  }
0xa0: {  	v5 =	vld [tilespmem:s30+$0xAE10]  }
0xa1: {  	v6 =	vld [tilespmem:s30+$0xAE20]  }
0xa2: {  	v7 =	vld [tilespmem:s30+$0xAE30];
	_ =	sdelay $0x1  }
0xa3: {  	v4 =	vmul.f32 v4, v2  }
0xa4: {  	v5 =	vmul.f32 v5, v3;
	_ =	sdelay $0x1  }
0xa5: {  	v4 =	vadd.f32 v5, v4;
	v5 =	vmul.f32 v6, v0;
	_ =	sdelay $0x1  }
0xa6: {  	v4 =	vadd.f32 v5, v4;
	v5 =	vmul.f32 v7, v1;
	_ =	sdelay $0x1  }
0xa7: {  	v4 =	vadd.f32 v5, v4;
	_ =	sdelay $0x1  }
0xa8: {  	[tilespmem:s26+$0x10] =	vst v4  }
0xa9: {  	v7 =	vld [tilespmem:s30+$0xCE10]  }
.Ltmp0:
0xaa: {  	v6 =	vld [tilespmem:s30+$0xCE00];
	(pc) =	sbr.rel @p0 .LBB2_3-.Ltmp0, $3  }
0xab: {  	v5 =	vld [tilespmem:s30+$0xCE20]  }
0xac: {  	v4 =	vld [tilespmem:s30+$0xCE30];
	_ =	sdelay $0x1  }
0xad: {  	v3 =	vmul.f32 v7, v3  }
0xae: {  	v2 =	vmul.f32 v6, v2;
	_ =	sdelay $0x1  }
0xaf: {  	v0 =	vmul.f32 v5, v0;
	v2 =	vadd.f32 v3, v2;
	_ =	sdelay $0x1  }
0xb0: {  	v1 =	vmul.f32 v4, v1;
	v0 =	vadd.f32 v0, v2  }
0xb1: {  	s25 =	sadd.s32 s3, s25  }
0xb2: {  	s24 =	sadd.s32 $0x1, s24;
	s25 =	smul.u32 $0xC, s25;
	v0 =	vadd.f32 v1, v0  }
0xb3: {  	p0 =	sne.s32 s24, $0x4  }
.Ltmp1:
0xb4: {  	s25 =	sadd.s32 s6, s25;
	[tilespmem:s28+$0x20] =	vst v0;
	(pc) =	sbr.rel @p0 .LBB2_2-.Ltmp1, $4  }
0xb5: {  	[hbm4b:s25+s2] =	stream.linear.scatter [tilespmem:s22], [sflag:$0x2], $0x3000, $0x38;
	[tilespmem:$0x11E00] =	vst v63  }
0xb6: {  	_ =	swait.ge [sflag:s10], $0x3000  }
0xb7: {  	[sflag:s10] =	ssyncset.done $0x0  }
0xb8: {  	[sflag:s10] =	ssyncadd.s32 $0xFFFFD000  }
0xb9: {  	s23 =	sadd.s32 $0x1, s23  }
0xba: {  	p0 =	sne.s32 s23, s9  }
.Ltmp2:
0xbb: {  	_ = 	snop;
	(pc) =	sbr.rel @p0 .LBB2_1-.Ltmp2, $1  }
0xbc: {  	_ =	sdelay $0x3  }
0xbd: {  	_ =	sfence.sel $0x180000  }
0xbe: {  	[bflag:$0x0] =	sbarrier.arrive $0xFFFF  }
0xbf: {  	p0 =	sne.s32 s1, $0x0;
	_ =	strace $0x90000047  }
0xc0: {  	s0 =	sadd.s32 @!p0 $0x100000, s0;
	[bflag:$0x2] =	sbarrier.arrive $0xFFFF  }
0xc1: {  	[sflag:s0] =	ssyncadd.tile.s32 @!p0 $0x1;
	_ =	shalt  }
.Lfunc_end2:
_tile_overlayer_lowered:
.L_overlay_start_2:
0xc2: {  	(tag) =	ssettag $0x2  }
0xc3: {  	s0 =	rddreg [dreg:$0x0];
	s2 =	stileid.u32  }
0xc4: {  	s1 =	rddreg [dreg:$0x1];
	p0 =	sne.s32 s2, $0x0  }
0xc5: {  	s3 =	rddreg [dreg:$0x2];
	[bflag:$0x3] =	sbarrier.arrive $0xFFFF;
	s2 =	simm.s32 @!p0 $0x1C02  }
0xc6: {  	[timem:s3], [sflag:s2] =	dma.local @!p0 [hbm:s0], s1  }
0xc7: {  	s0 =	simm.s32 @!p0 $0x2  }
0xc8: {  	_ =	swait.ge @!p0 [sflag:s0], s1  }
0xc9: {  	s1 =	ssub.s32 @!p0 $0x0, s1;
	[sflag:s0] =	ssyncset.done @!p0 $0x0  }
0xca: {  	[sflag:s0] =	ssyncadd.s32 @!p0 s1  }
0xcb: {  	[bflag:$0x3] =	sbarrier.arrive $0xFFFF  }
0xcc: {  	_ =	shalt  }

</sc_bundles>
